<compile_context>
chip_gen: v7x
topology: tpu7x:2x2x1
jax: 0.10.2.dev20260603
libtpu: 0.0.44.dev20260713+nightly
codegen_flags: <defaults>
</compile_context>

<pallas_src>
import functools

import jax
import jax.numpy as jnp
from jax import lax
from jax.experimental import pallas as pl
from jax.experimental.pallas import tpu as pltpu
from jax.experimental.pallas import tpu_sc as plsc

N = 10000
E = 320000
D_IN = 128
D_HID = 16
D_OUT = 2

NC = 2
NS = 16
NW = NC * NS
CH = 128
EW = E // NW
NCHUNK = 80
EW_PAD = NCHUNK * CH
CB = 5120
NB = EW_PAD // CB
CB2 = 2048
NB2 = EW_PAD // CB2
N_PAD = 10112
RZ = N_PAD // NS
RZP = 640
WD = 16

_mesh = functools.partial(
    pl.kernel,
    mesh=plsc.VectorSubcoreMesh(core_axis_name="c", subcore_axis_name="s"),
    compiler_params=pltpu.CompilerParams(use_tc_tiling_on_sc=False,
                                         needs_layout_passes=False),
)


def _sc_deg_body(dstp_hbm, ones_hbm, z_hbm, out_hbm,
                 dst_v, ones_v, deg_sp):
    cid = lax.axis_index("c")
    sid = lax.axis_index("s")
    wid = cid * NS + sid
    pltpu.sync_copy(dstp_hbm.at[wid], dst_v)
    pltpu.sync_copy(ones_hbm, ones_v)
    pltpu.sync_copy(z_hbm.at[pl.ds(sid * RZ, RZ)],
                    deg_sp.at[pl.ds(sid * RZ, RZ)])
    plsc.subcore_barrier()

    def chunk(j, carry):
        pltpu.sync_copy(ones_v, deg_sp.at[dst_v.at[j]], add=True)
        return carry

    lax.fori_loop(0, NB, chunk, 0)
    plsc.subcore_barrier()
    pltpu.sync_copy(deg_sp.at[pl.ds(sid * RZ, RZ)],
                    out_hbm.at[cid, pl.ds(sid * RZ, RZ)])


_sc_deg = _mesh(
    _sc_deg_body,
    out_type=jax.ShapeDtypeStruct((NC, N_PAD), jnp.float32),
    scratch_types=[
        pltpu.VMEM((NB, CB), jnp.int32),
        pltpu.VMEM((CB,), jnp.float32),
        pltpu.VMEM_SHARED((N_PAD,), jnp.float32),
    ],
)


def _tc_mm_body(x_ref, w1_ref, h1_ref):
    h1_ref[0:N] = jnp.dot(x_ref[...], w1_ref[...],
                          preferred_element_type=jnp.float32)
    h1_ref[N:] = jnp.zeros((N_PAD - N, D_HID), jnp.float32)


_tc_mm = pl.pallas_call(
    _tc_mm_body,
    out_shape=jax.ShapeDtypeStruct((N_PAD, D_HID), jnp.float32),
)


def _rsqrt_sc(d):
    di = plsc.bitcast(d, jnp.int32)
    y = plsc.bitcast(0x5F3759DF - lax.shift_right_logical(di, 1),
                     jnp.float32)
    y = y * (1.5 - 0.5 * d * y * y)
    y = y * (1.5 - 0.5 * d * y * y)
    y = y * (1.5 - 0.5 * d * y * y)
    return y


def _sc_agg1_body(h1_hbm, degp_hbm, srcp_hbm, dstp_hbm, z_hbm,
                  out_hbm, hs1_hbm, dinv_hbm,
                  src_v, dst_v, rows_v, b_h1, b_d0, b_d1, b_dinv,
                  acc_sp, hs_sp, sem):
    cid = lax.axis_index("c")
    sid = lax.axis_index("s")
    wid = cid * NS + sid
    r0 = sid * RZ
    pltpu.sync_copy(srcp_hbm.at[wid], src_v)
    pltpu.sync_copy(dstp_hbm.at[wid], dst_v)
    pltpu.sync_copy(z_hbm.at[pl.ds(r0, RZ)], acc_sp.at[pl.ds(r0, RZ)])
    pltpu.sync_copy(h1_hbm.at[pl.ds(r0, RZ)], b_h1.at[pl.ds(0, RZ)])
    pltpu.sync_copy(degp_hbm.at[0, pl.ds(r0, RZ)], b_d0.at[pl.ds(0, RZ)])
    pltpu.sync_copy(degp_hbm.at[1, pl.ds(r0, RZ)], b_d1.at[pl.ds(0, RZ)])

    def row16(k, carry):
        base = k * D_HID
        dvec = _rsqrt_sc(1.0 + b_d0[pl.ds(base, D_HID)]
                         + b_d1[pl.ds(base, D_HID)])
        for j in range(D_HID):
            dv = dvec[j]
            b_dinv[base + j] = jnp.full((D_HID,), dv, jnp.float32)
            b_h1[base + j] = b_h1[base + j] * dv
        return carry

    lax.fori_loop(0, RZP // D_HID, row16, 0)
    pltpu.sync_copy(b_h1.at[pl.ds(0, RZ)], hs_sp.at[pl.ds(r0, RZ)])

    @pl.when(cid == 0)
    def _():
        pltpu.sync_copy(b_h1.at[pl.ds(0, RZ)], hs1_hbm.at[pl.ds(r0, RZ)])
        pltpu.sync_copy(b_dinv.at[pl.ds(0, RZ)], dinv_hbm.at[pl.ds(r0, RZ)])

    plsc.subcore_barrier()

    def chunk(m, carry):
        pltpu.async_copy(hs_sp.at[src_v.at[m]], rows_v, sem).wait()
        pltpu.sync_copy(rows_v, acc_sp.at[dst_v.at[m]], add=True)
        return carry

    lax.fori_loop(0, NB2, chunk, 0)
    plsc.subcore_barrier()
    pltpu.sync_copy(acc_sp.at[pl.ds(r0, RZ)],
                    out_hbm.at[cid, pl.ds(r0, RZ)])


_sc_agg1 = _mesh(
    _sc_agg1_body,
    out_type=(
        jax.ShapeDtypeStruct((NC, N_PAD, D_HID), jnp.float32),
        jax.ShapeDtypeStruct((N_PAD, D_HID), jnp.float32),
        jax.ShapeDtypeStruct((N_PAD, D_HID), jnp.float32),
    ),
    scratch_types=(
        [pltpu.VMEM((NB2, CB2), jnp.int32),
         pltpu.VMEM((NB2, CB2), jnp.int32),
         pltpu.VMEM((CB2, D_HID), jnp.float32),
         pltpu.VMEM((RZP, D_HID), jnp.float32),
         pltpu.VMEM((RZP,), jnp.float32),
         pltpu.VMEM((RZP,), jnp.float32),
         pltpu.VMEM((RZP, D_HID), jnp.float32),
         pltpu.VMEM_SHARED((N_PAD, D_HID), jnp.float32),
         pltpu.VMEM_SHARED((N_PAD, D_HID), jnp.float32),
         pltpu.SemaphoreType.DMA]
    ),
)


def _sc_agg2_body(p_hbm, hs1_hbm, dinv_hbm, b1_hbm, srcp_hbm, dstp_hbm,
                  z_hbm, out_hbm, hs2_hbm,
                  src_v, dst_v, rows_v, b_p0, b_p1, b_hs1, b_dinv,
                  b1_v, acc_sp, hs_sp, sem):
    cid = lax.axis_index("c")
    sid = lax.axis_index("s")
    wid = cid * NS + sid
    r0 = sid * RZ
    pltpu.sync_copy(srcp_hbm.at[wid], src_v)
    pltpu.sync_copy(dstp_hbm.at[wid], dst_v)
    pltpu.sync_copy(z_hbm.at[pl.ds(r0, RZ)], acc_sp.at[pl.ds(r0, RZ)])
    pltpu.sync_copy(p_hbm.at[0, pl.ds(r0, RZ)], b_p0)
    pltpu.sync_copy(p_hbm.at[1, pl.ds(r0, RZ)], b_p1)
    pltpu.sync_copy(hs1_hbm.at[pl.ds(r0, RZ)], b_hs1)
    pltpu.sync_copy(dinv_hbm.at[pl.ds(r0, RZ)], b_dinv)
    pltpu.sync_copy(b1_hbm, b1_v)
    b1v = b1_v[...]

    def row(i, carry):
        dv = b_dinv[i]
        z = jnp.maximum(dv * (b_p0[i] + b_p1[i] + b_hs1[i]) + b1v, 0.0)
        b_p0[i] = z * dv
        return carry

    lax.fori_loop(0, RZ, row, 0)
    b_hs2 = b_p0
    pltpu.sync_copy(b_hs2, hs_sp.at[pl.ds(r0, RZ)])

    @pl.when(cid == 0)
    def _():
        pltpu.sync_copy(b_hs2, hs2_hbm.at[pl.ds(r0, RZ)])

    plsc.subcore_barrier()

    def chunk(m, carry):
        pltpu.async_copy(hs_sp.at[src_v.at[m]], rows_v, sem).wait()
        pltpu.sync_copy(rows_v, acc_sp.at[dst_v.at[m]], add=True)
        return carry

    lax.fori_loop(0, NB2, chunk, 0)
    plsc.subcore_barrier()
    pltpu.sync_copy(acc_sp.at[pl.ds(r0, RZ)],
                    out_hbm.at[cid, pl.ds(r0, RZ)])


_sc_agg2 = _mesh(
    _sc_agg2_body,
    out_type=(
        jax.ShapeDtypeStruct((NC, N_PAD, D_HID), jnp.float32),
        jax.ShapeDtypeStruct((N_PAD, D_HID), jnp.float32),
    ),
    scratch_types=(
        [pltpu.VMEM((NB2, CB2), jnp.int32),
         pltpu.VMEM((NB2, CB2), jnp.int32),
         pltpu.VMEM((CB2, D_HID), jnp.float32)]
        + [pltpu.VMEM((RZ, D_HID), jnp.float32)] * 4
        + [pltpu.VMEM((D_HID,), jnp.float32),
           pltpu.VMEM_SHARED((N_PAD, D_HID), jnp.float32),
           pltpu.VMEM_SHARED((N_PAD, D_HID), jnp.float32),
           pltpu.SemaphoreType.DMA]
    ),
)


def _tc3_body(parts_ref, hs2_ref, dinv_ref, w2_ref, b2_ref, out_ref):
    agg = parts_ref[0, :N] + parts_ref[1, :N] + hs2_ref[:N]
    pre = dinv_ref[:N] * agg
    logits = jnp.dot(pre, w2_ref[...],
                     preferred_element_type=jnp.float32) + b2_ref[...]
    m = jnp.max(logits, axis=1, keepdims=True)
    lse = m + jnp.log(jnp.sum(jnp.exp(logits - m), axis=1, keepdims=True))
    out_ref[...] = logits - lse


_tc3 = pl.pallas_call(
    _tc3_body,
    out_shape=jax.ShapeDtypeStruct((N, D_OUT), jnp.float32),
)


def kernel(x, edge_index, W1, b1, W2, b2):
    src = edge_index[0].astype(jnp.int32)
    dst = edge_index[1].astype(jnp.int32)
    pad = EW_PAD - EW
    srcp = jnp.pad(src.reshape(NW, EW), ((0, 0), (0, pad)),
                   constant_values=0).reshape(NW, NB, CB)
    dstp = jnp.pad(dst.reshape(NW, EW), ((0, 0), (0, pad)),
                   constant_values=N).reshape(NW, NB, CB)
    zeros16 = jnp.zeros((N_PAD, D_HID), jnp.float32)
    zeros1 = jnp.zeros((N_PAD,), jnp.float32)
    ones1 = jnp.ones((CB,), jnp.float32)
    srcp2 = srcp.reshape(NW, NB2, CB2)
    dstp2 = dstp.reshape(NW, NB2, CB2)

    h1 = _tc_mm(x, W1)
    deg_parts = _sc_deg(dstp, ones1, zeros1)
    agg1, hs1, dinv = _sc_agg1(h1, deg_parts, srcp2, dstp2, zeros16)
    agg2, hs2 = _sc_agg2(agg1, hs1, dinv, b1, srcp2, dstp2, zeros16)
    return _tc3(agg2, hs2, dinv, W2, b2)

# --- scband reference (transcript-rebuilt; emitter-appended) ---
"""Pipeline reference for scband-eva-gnn-22462678958350 (READ-ONLY COPY).

The authoritative reference and input builder live on the scoring server;
editing this copy changes nothing except your own understanding.
"""

import jax, jax.numpy as jnp
import numpy as np

N_NODES = 10000
N_EDGES = 320000
D_IN = 128
D_HID = 16
D_OUT = 2


def setup_inputs(seed: int = 0) -> dict:
    key = jax.random.key(seed)
    k1, k2, k3, k4, k5, k6 = jax.random.split(key, 6)
    x = jax.random.normal(k1, (N_NODES, D_IN), dtype=jnp.float32)
    edge_index = jax.random.randint(k2, (2, N_EDGES), 0, N_NODES).astype(jnp.int64)
    W1 = jax.random.normal(k3, (D_IN, D_HID), dtype=jnp.float32) * (1.0 / np.sqrt(D_IN))
    b1 = jnp.zeros((D_HID,), dtype=jnp.float32)
    W2 = jax.random.normal(k4, (D_HID, D_OUT), dtype=jnp.float32) * (1.0 / np.sqrt(D_HID))
    b2 = jnp.zeros((D_OUT,), dtype=jnp.float32)
    return {"x": x, "edge_index": edge_index, "W1": W1, "b1": b1, "W2": W2, "b2": b2}


def gcn_conv(x, edge_index, W, b):
    # Faithful GCNConv: add self-loops, symmetric D^{-1/2} A D^{-1/2} normalization,
    # linear transform, scatter-add aggregation, bias.
    n = x.shape[0]
    loop = jnp.arange(n, dtype=edge_index.dtype)
    src = jnp.concatenate([edge_index[0], loop])
    dst = jnp.concatenate([edge_index[1], loop])
    deg = jnp.zeros((n,), dtype=x.dtype).at[dst].add(1.0)
    dinv = jax.lax.rsqrt(jnp.where(deg > 0, deg, 1.0))
    norm = dinv[src] * dinv[dst]
    h = x @ W
    msg = h[src] * norm[:, None]
    out = jnp.zeros((n, h.shape[1]), dtype=x.dtype).at[dst].add(msg)
    return out + b


def reference(x, edge_index, W1, b1, W2, b2):
    h = gcn_conv(x, edge_index, W1, b1)
    h = jax.nn.relu(h)
    h = gcn_conv(h, edge_index, W2, b2)
    return jax.nn.log_softmax(h, axis=1)

if __name__ == "__main__":
    import jax
    _d = setup_inputs()
    print(jax.jit(kernel)(*tuple(_d.values())))

</pallas_src>

<mosaic_0001>
#map = affine_map<(d0, d1) -> (0, 0, 0)>
#map1 = affine_map<(d0, d1) -> (0, 0)>
#map2 = affine_map<(d0, d1) -> (0)>
module attributes {stable_mosaic.version = 14 : i64} {
  func.func @_sc_agg2_body(%arg0: i32, %arg1: i32, %arg2: memref<2x10112x16xf32, #tpu.memory_space<hbm>>, %arg3: memref<10112x16xf32, #tpu.memory_space<hbm>>, %arg4: memref<10112x16xf32, #tpu.memory_space<hbm>>, %arg5: memref<16xf32, #tpu.memory_space<hbm>>, %arg6: memref<32x5x2048xi32, #tpu.memory_space<hbm>>, %arg7: memref<32x5x2048xi32, #tpu.memory_space<hbm>>, %arg8: memref<10112x16xf32, #tpu.memory_space<hbm>>, %arg9: memref<2x10112x16xf32, #tpu.memory_space<hbm>>, %arg10: memref<10112x16xf32, #tpu.memory_space<hbm>>, %arg11: memref<5x2048xi32, #tpu.memory_space<vmem>>, %arg12: memref<5x2048xi32, #tpu.memory_space<vmem>>, %arg13: memref<2048x16xf32, #tpu.memory_space<vmem>>, %arg14: memref<632x16xf32, #tpu.memory_space<vmem>>, %arg15: memref<632x16xf32, #tpu.memory_space<vmem>>, %arg16: memref<632x16xf32, #tpu.memory_space<vmem>>, %arg17: memref<632x16xf32, #tpu.memory_space<vmem>>, %arg18: memref<16xf32, #tpu.memory_space<vmem>>, %arg19: memref<10112x16xf32, #tpu.memory_space<vmem_shared>>, %arg20: memref<10112x16xf32, #tpu.memory_space<vmem_shared>>, %arg21: memref<!tpu.dma_semaphore, #tpu.memory_space<semaphore_mem>>) attributes {dimension_semantics = [#tpu.dimension_semantics<core_parallel>, #tpu.dimension_semantics<subcore_parallel>], iteration_bounds = array<i64: 2, 16>, scalar_prefetch = 0 : i64, scratch_operands = 11 : i64, tpu.core_type = #tpu.core_type<sc_vector_subcore>, window_params = [{transform_indices = #map}, {transform_indices = #map1}, {transform_indices = #map1}, {transform_indices = #map2}, {transform_indices = #map}, {transform_indices = #map}, {transform_indices = #map1}, {transform_indices = #map}, {transform_indices = #map1}]} {
    %mul3A = arith.constant 16 : i32
    %mul3A_0 = arith.muli %arg0, %mul3A : i32
    %add3A = arith.addi %mul3A_0, %arg1 : i32
    %mul3A_1 = arith.constant 632 : i32
    %mul3A_2 = arith.muli %arg1, %mul3A_1 : i32
    "tpu.region"() ({
      %run_scoped3A_19 = tpu.sem_alloc : memref<!tpu.dma_semaphore, #tpu.memory_space<semaphore_mem>>
      %dma_start3A = arith.constant 0 : i32
      %dma_start3A_20 = arith.constant 0 : i32
      %dma_start3A_21 = tpu.memref_slice %arg6[%add3A, %dma_start3A, %dma_start3A_20] : memref<32x5x2048xi32, #tpu.memory_space<hbm>> -> memref<1x5x2048xi32, #tpu.memory_space<hbm>>
      %dma_start3A_22 = tpu.memref_squeeze %dma_start3A_21 : memref<1x5x2048xi32, #tpu.memory_space<hbm>> -> memref<5x2048xi32, #tpu.memory_space<hbm>>
      %dma_start3A_23 = arith.constant 0 : i32
      %dma_start3A_24 = arith.constant 0 : i32
      %dma_start3A_25 = tpu.memref_slice %arg6[%add3A, %dma_start3A_23, %dma_start3A_24] : memref<32x5x2048xi32, #tpu.memory_space<hbm>> -> memref<1x5x2048xi32, #tpu.memory_space<hbm>>
      %dma_start3A_26 = tpu.memref_squeeze %dma_start3A_25 : memref<1x5x2048xi32, #tpu.memory_space<hbm>> -> memref<5x2048xi32, #tpu.memory_space<hbm>>
      tpu.enqueue_dma source(%dma_start3A_26 : memref<5x2048xi32, #tpu.memory_space<hbm>>) target(%arg11 : memref<5x2048xi32, #tpu.memory_space<vmem>>) target_semaphore(%run_scoped3A_19 : memref<!tpu.dma_semaphore, #tpu.memory_space<semaphore_mem>>)
      %dma_wait3A = arith.constant 0 : i32
      %dma_wait3A_27 = arith.constant 0 : i32
      %dma_wait3A_28 = tpu.memref_slice %arg6[%add3A, %dma_wait3A, %dma_wait3A_27] : memref<32x5x2048xi32, #tpu.memory_space<hbm>> -> memref<1x5x2048xi32, #tpu.memory_space<hbm>>
      %dma_wait3A_29 = tpu.memref_squeeze %dma_wait3A_28 : memref<1x5x2048xi32, #tpu.memory_space<hbm>> -> memref<5x2048xi32, #tpu.memory_space<hbm>>
      %dma_wait3A_30 = arith.constant 0 : i32
      %dma_wait3A_31 = arith.constant 0 : i32
      %dma_wait3A_32 = tpu.memref_slice %arg6[%add3A, %dma_wait3A_30, %dma_wait3A_31] : memref<32x5x2048xi32, #tpu.memory_space<hbm>> -> memref<1x5x2048xi32, #tpu.memory_space<hbm>>
      %dma_wait3A_33 = tpu.memref_squeeze %dma_wait3A_32 : memref<1x5x2048xi32, #tpu.memory_space<hbm>> -> memref<5x2048xi32, #tpu.memory_space<hbm>>
      tpu.wait_dma2 semaphore(%run_scoped3A_19 : memref<!tpu.dma_semaphore, #tpu.memory_space<semaphore_mem>>) src(%dma_wait3A_33 : memref<5x2048xi32, #tpu.memory_space<hbm>>) dst(%arg11 : memref<5x2048xi32, #tpu.memory_space<vmem>>)
      tpu.yield
    }) : () -> ()
    "tpu.region"() ({
      %run_scoped3A_19 = tpu.sem_alloc : memref<!tpu.dma_semaphore, #tpu.memory_space<semaphore_mem>>
      %dma_start3A = arith.constant 0 : i32
      %dma_start3A_20 = arith.constant 0 : i32
      %dma_start3A_21 = tpu.memref_slice %arg7[%add3A, %dma_start3A, %dma_start3A_20] : memref<32x5x2048xi32, #tpu.memory_space<hbm>> -> memref<1x5x2048xi32, #tpu.memory_space<hbm>>
      %dma_start3A_22 = tpu.memref_squeeze %dma_start3A_21 : memref<1x5x2048xi32, #tpu.memory_space<hbm>> -> memref<5x2048xi32, #tpu.memory_space<hbm>>
      %dma_start3A_23 = arith.constant 0 : i32
      %dma_start3A_24 = arith.constant 0 : i32
      %dma_start3A_25 = tpu.memref_slice %arg7[%add3A, %dma_start3A_23, %dma_start3A_24] : memref<32x5x2048xi32, #tpu.memory_space<hbm>> -> memref<1x5x2048xi32, #tpu.memory_space<hbm>>
      %dma_start3A_26 = tpu.memref_squeeze %dma_start3A_25 : memref<1x5x2048xi32, #tpu.memory_space<hbm>> -> memref<5x2048xi32, #tpu.memory_space<hbm>>
      tpu.enqueue_dma source(%dma_start3A_26 : memref<5x2048xi32, #tpu.memory_space<hbm>>) target(%arg12 : memref<5x2048xi32, #tpu.memory_space<vmem>>) target_semaphore(%run_scoped3A_19 : memref<!tpu.dma_semaphore, #tpu.memory_space<semaphore_mem>>)
      %dma_wait3A = arith.constant 0 : i32
      %dma_wait3A_27 = arith.constant 0 : i32
      %dma_wait3A_28 = tpu.memref_slice %arg7[%add3A, %dma_wait3A, %dma_wait3A_27] : memref<32x5x2048xi32, #tpu.memory_space<hbm>> -> memref<1x5x2048xi32, #tpu.memory_space<hbm>>
      %dma_wait3A_29 = tpu.memref_squeeze %dma_wait3A_28 : memref<1x5x2048xi32, #tpu.memory_space<hbm>> -> memref<5x2048xi32, #tpu.memory_space<hbm>>
      %dma_wait3A_30 = arith.constant 0 : i32
      %dma_wait3A_31 = arith.constant 0 : i32
      %dma_wait3A_32 = tpu.memref_slice %arg7[%add3A, %dma_wait3A_30, %dma_wait3A_31] : memref<32x5x2048xi32, #tpu.memory_space<hbm>> -> memref<1x5x2048xi32, #tpu.memory_space<hbm>>
      %dma_wait3A_33 = tpu.memref_squeeze %dma_wait3A_32 : memref<1x5x2048xi32, #tpu.memory_space<hbm>> -> memref<5x2048xi32, #tpu.memory_space<hbm>>
      tpu.wait_dma2 semaphore(%run_scoped3A_19 : memref<!tpu.dma_semaphore, #tpu.memory_space<semaphore_mem>>) src(%dma_wait3A_33 : memref<5x2048xi32, #tpu.memory_space<hbm>>) dst(%arg12 : memref<5x2048xi32, #tpu.memory_space<vmem>>)
      tpu.yield
    }) : () -> ()
    "tpu.region"() ({
      %run_scoped3A_19 = tpu.sem_alloc : memref<!tpu.dma_semaphore, #tpu.memory_space<semaphore_mem>>
      %dma_start3A = arith.constant 0 : i32
      %dma_start3A_20 = tpu.memref_slice %arg19[%mul3A_2, %dma_start3A] : memref<10112x16xf32, #tpu.memory_space<vmem_shared>> -> memref<632x16xf32, #tpu.memory_space<vmem_shared>>
      %dma_start3A_21 = arith.constant 0 : i32
      %dma_start3A_22 = tpu.memref_slice %arg8[%mul3A_2, %dma_start3A_21] : memref<10112x16xf32, #tpu.memory_space<hbm>> -> memref<632x16xf32, #tpu.memory_space<hbm>>
      tpu.enqueue_dma source(%dma_start3A_22 : memref<632x16xf32, #tpu.memory_space<hbm>>) target(%dma_start3A_20 : memref<632x16xf32, #tpu.memory_space<vmem_shared>>) target_semaphore(%run_scoped3A_19 : memref<!tpu.dma_semaphore, #tpu.memory_space<semaphore_mem>>)
      %dma_wait3A = arith.constant 0 : i32
      %dma_wait3A_23 = tpu.memref_slice %arg19[%mul3A_2, %dma_wait3A] : memref<10112x16xf32, #tpu.memory_space<vmem_shared>> -> memref<632x16xf32, #tpu.memory_space<vmem_shared>>
      %dma_wait3A_24 = arith.constant 0 : i32
      %dma_wait3A_25 = tpu.memref_slice %arg8[%mul3A_2, %dma_wait3A_24] : memref<10112x16xf32, #tpu.memory_space<hbm>> -> memref<632x16xf32, #tpu.memory_space<hbm>>
      tpu.wait_dma2 semaphore(%run_scoped3A_19 : memref<!tpu.dma_semaphore, #tpu.memory_space<semaphore_mem>>) src(%dma_wait3A_25 : memref<632x16xf32, #tpu.memory_space<hbm>>) dst(%dma_wait3A_23 : memref<632x16xf32, #tpu.memory_space<vmem_shared>>)
      tpu.yield
    }) : () -> ()
    %run_scoped3A = arith.constant 0 : i32
    "tpu.region"() ({
      %run_scoped3A_19 = tpu.sem_alloc : memref<!tpu.dma_semaphore, #tpu.memory_space<semaphore_mem>>
      %dma_start3A = arith.constant 0 : i32
      %dma_start3A_20 = tpu.memref_slice %arg2[%run_scoped3A, %mul3A_2, %dma_start3A] : memref<2x10112x16xf32, #tpu.memory_space<hbm>> -> memref<1x632x16xf32, #tpu.memory_space<hbm>>
      %dma_start3A_21 = tpu.memref_squeeze %dma_start3A_20 : memref<1x632x16xf32, #tpu.memory_space<hbm>> -> memref<632x16xf32, #tpu.memory_space<hbm>>
      %dma_start3A_22 = arith.constant 0 : i32
      %dma_start3A_23 = tpu.memref_slice %arg2[%run_scoped3A, %mul3A_2, %dma_start3A_22] : memref<2x10112x16xf32, #tpu.memory_space<hbm>> -> memref<1x632x16xf32, #tpu.memory_space<hbm>>
      %dma_start3A_24 = tpu.memref_squeeze %dma_start3A_23 : memref<1x632x16xf32, #tpu.memory_space<hbm>> -> memref<632x16xf32, #tpu.memory_space<hbm>>
      tpu.enqueue_dma source(%dma_start3A_24 : memref<632x16xf32, #tpu.memory_space<hbm>>) target(%arg14 : memref<632x16xf32, #tpu.memory_space<vmem>>) target_semaphore(%run_scoped3A_19 : memref<!tpu.dma_semaphore, #tpu.memory_space<semaphore_mem>>)
      %dma_wait3A = arith.constant 0 : i32
      %dma_wait3A_25 = tpu.memref_slice %arg2[%run_scoped3A, %mul3A_2, %dma_wait3A] : memref<2x10112x16xf32, #tpu.memory_space<hbm>> -> memref<1x632x16xf32, #tpu.memory_space<hbm>>
      %dma_wait3A_26 = tpu.memref_squeeze %dma_wait3A_25 : memref<1x632x16xf32, #tpu.memory_space<hbm>> -> memref<632x16xf32, #tpu.memory_space<hbm>>
      %dma_wait3A_27 = arith.constant 0 : i32
      %dma_wait3A_28 = tpu.memref_slice %arg2[%run_scoped3A, %mul3A_2, %dma_wait3A_27] : memref<2x10112x16xf32, #tpu.memory_space<hbm>> -> memref<1x632x16xf32, #tpu.memory_space<hbm>>
      %dma_wait3A_29 = tpu.memref_squeeze %dma_wait3A_28 : memref<1x632x16xf32, #tpu.memory_space<hbm>> -> memref<632x16xf32, #tpu.memory_space<hbm>>
      tpu.wait_dma2 semaphore(%run_scoped3A_19 : memref<!tpu.dma_semaphore, #tpu.memory_space<semaphore_mem>>) src(%dma_wait3A_29 : memref<632x16xf32, #tpu.memory_space<hbm>>) dst(%arg14 : memref<632x16xf32, #tpu.memory_space<vmem>>)
      tpu.yield
    }) : () -> ()
    %run_scoped3A_3 = arith.constant 1 : i32
    "tpu.region"() ({
      %run_scoped3A_19 = tpu.sem_alloc : memref<!tpu.dma_semaphore, #tpu.memory_space<semaphore_mem>>
      %dma_start3A = arith.constant 0 : i32
      %dma_start3A_20 = tpu.memref_slice %arg2[%run_scoped3A_3, %mul3A_2, %dma_start3A] : memref<2x10112x16xf32, #tpu.memory_space<hbm>> -> memref<1x632x16xf32, #tpu.memory_space<hbm>>
      %dma_start3A_21 = tpu.memref_squeeze %dma_start3A_20 : memref<1x632x16xf32, #tpu.memory_space<hbm>> -> memref<632x16xf32, #tpu.memory_space<hbm>>
      %dma_start3A_22 = arith.constant 0 : i32
      %dma_start3A_23 = tpu.memref_slice %arg2[%run_scoped3A_3, %mul3A_2, %dma_start3A_22] : memref<2x10112x16xf32, #tpu.memory_space<hbm>> -> memref<1x632x16xf32, #tpu.memory_space<hbm>>
      %dma_start3A_24 = tpu.memref_squeeze %dma_start3A_23 : memref<1x632x16xf32, #tpu.memory_space<hbm>> -> memref<632x16xf32, #tpu.memory_space<hbm>>
      tpu.enqueue_dma source(%dma_start3A_24 : memref<632x16xf32, #tpu.memory_space<hbm>>) target(%arg15 : memref<632x16xf32, #tpu.memory_space<vmem>>) target_semaphore(%run_scoped3A_19 : memref<!tpu.dma_semaphore, #tpu.memory_space<semaphore_mem>>)
      %dma_wait3A = arith.constant 0 : i32
      %dma_wait3A_25 = tpu.memref_slice %arg2[%run_scoped3A_3, %mul3A_2, %dma_wait3A] : memref<2x10112x16xf32, #tpu.memory_space<hbm>> -> memref<1x632x16xf32, #tpu.memory_space<hbm>>
      %dma_wait3A_26 = tpu.memref_squeeze %dma_wait3A_25 : memref<1x632x16xf32, #tpu.memory_space<hbm>> -> memref<632x16xf32, #tpu.memory_space<hbm>>
      %dma_wait3A_27 = arith.constant 0 : i32
      %dma_wait3A_28 = tpu.memref_slice %arg2[%run_scoped3A_3, %mul3A_2, %dma_wait3A_27] : memref<2x10112x16xf32, #tpu.memory_space<hbm>> -> memref<1x632x16xf32, #tpu.memory_space<hbm>>
      %dma_wait3A_29 = tpu.memref_squeeze %dma_wait3A_28 : memref<1x632x16xf32, #tpu.memory_space<hbm>> -> memref<632x16xf32, #tpu.memory_space<hbm>>
      tpu.wait_dma2 semaphore(%run_scoped3A_19 : memref<!tpu.dma_semaphore, #tpu.memory_space<semaphore_mem>>) src(%dma_wait3A_29 : memref<632x16xf32, #tpu.memory_space<hbm>>) dst(%arg15 : memref<632x16xf32, #tpu.memory_space<vmem>>)
      tpu.yield
    }) : () -> ()
    "tpu.region"() ({
      %run_scoped3A_19 = tpu.sem_alloc : memref<!tpu.dma_semaphore, #tpu.memory_space<semaphore_mem>>
      %dma_start3A = arith.constant 0 : i32
      %dma_start3A_20 = tpu.memref_slice %arg3[%mul3A_2, %dma_start3A] : memref<10112x16xf32, #tpu.memory_space<hbm>> -> memref<632x16xf32, #tpu.memory_space<hbm>>
      %dma_start3A_21 = arith.constant 0 : i32
      %dma_start3A_22 = tpu.memref_slice %arg3[%mul3A_2, %dma_start3A_21] : memref<10112x16xf32, #tpu.memory_space<hbm>> -> memref<632x16xf32, #tpu.memory_space<hbm>>
      tpu.enqueue_dma source(%dma_start3A_22 : memref<632x16xf32, #tpu.memory_space<hbm>>) target(%arg16 : memref<632x16xf32, #tpu.memory_space<vmem>>) target_semaphore(%run_scoped3A_19 : memref<!tpu.dma_semaphore, #tpu.memory_space<semaphore_mem>>)
      %dma_wait3A = arith.constant 0 : i32
      %dma_wait3A_23 = tpu.memref_slice %arg3[%mul3A_2, %dma_wait3A] : memref<10112x16xf32, #tpu.memory_space<hbm>> -> memref<632x16xf32, #tpu.memory_space<hbm>>
      %dma_wait3A_24 = arith.constant 0 : i32
      %dma_wait3A_25 = tpu.memref_slice %arg3[%mul3A_2, %dma_wait3A_24] : memref<10112x16xf32, #tpu.memory_space<hbm>> -> memref<632x16xf32, #tpu.memory_space<hbm>>
      tpu.wait_dma2 semaphore(%run_scoped3A_19 : memref<!tpu.dma_semaphore, #tpu.memory_space<semaphore_mem>>) src(%dma_wait3A_25 : memref<632x16xf32, #tpu.memory_space<hbm>>) dst(%arg16 : memref<632x16xf32, #tpu.memory_space<vmem>>)
      tpu.yield
    }) : () -> ()
    "tpu.region"() ({
      %run_scoped3A_19 = tpu.sem_alloc : memref<!tpu.dma_semaphore, #tpu.memory_space<semaphore_mem>>
      %dma_start3A = arith.constant 0 : i32
      %dma_start3A_20 = tpu.memref_slice %arg4[%mul3A_2, %dma_start3A] : memref<10112x16xf32, #tpu.memory_space<hbm>> -> memref<632x16xf32, #tpu.memory_space<hbm>>
      %dma_start3A_21 = arith.constant 0 : i32
      %dma_start3A_22 = tpu.memref_slice %arg4[%mul3A_2, %dma_start3A_21] : memref<10112x16xf32, #tpu.memory_space<hbm>> -> memref<632x16xf32, #tpu.memory_space<hbm>>
      tpu.enqueue_dma source(%dma_start3A_22 : memref<632x16xf32, #tpu.memory_space<hbm>>) target(%arg17 : memref<632x16xf32, #tpu.memory_space<vmem>>) target_semaphore(%run_scoped3A_19 : memref<!tpu.dma_semaphore, #tpu.memory_space<semaphore_mem>>)
      %dma_wait3A = arith.constant 0 : i32
      %dma_wait3A_23 = tpu.memref_slice %arg4[%mul3A_2, %dma_wait3A] : memref<10112x16xf32, #tpu.memory_space<hbm>> -> memref<632x16xf32, #tpu.memory_space<hbm>>
      %dma_wait3A_24 = arith.constant 0 : i32
      %dma_wait3A_25 = tpu.memref_slice %arg4[%mul3A_2, %dma_wait3A_24] : memref<10112x16xf32, #tpu.memory_space<hbm>> -> memref<632x16xf32, #tpu.memory_space<hbm>>
      tpu.wait_dma2 semaphore(%run_scoped3A_19 : memref<!tpu.dma_semaphore, #tpu.memory_space<semaphore_mem>>) src(%dma_wait3A_25 : memref<632x16xf32, #tpu.memory_space<hbm>>) dst(%arg17 : memref<632x16xf32, #tpu.memory_space<vmem>>)
      tpu.yield
    }) : () -> ()
    "tpu.region"() ({
      %run_scoped3A_19 = tpu.sem_alloc : memref<!tpu.dma_semaphore, #tpu.memory_space<semaphore_mem>>
      tpu.enqueue_dma source(%arg5 : memref<16xf32, #tpu.memory_space<hbm>>) target(%arg18 : memref<16xf32, #tpu.memory_space<vmem>>) target_semaphore(%run_scoped3A_19 : memref<!tpu.dma_semaphore, #tpu.memory_space<semaphore_mem>>)
      tpu.wait_dma2 semaphore(%run_scoped3A_19 : memref<!tpu.dma_semaphore, #tpu.memory_space<semaphore_mem>>) src(%arg5 : memref<16xf32, #tpu.memory_space<hbm>>) dst(%arg18 : memref<16xf32, #tpu.memory_space<vmem>>)
      tpu.yield
    }) : () -> ()
    %get3A = arith.constant 0 : index
    %get3A_4 = tpu.vector_load %arg18[%get3A] {strides = array<i32>} : memref<16xf32, #tpu.memory_space<vmem>>, vector<16xf32>,
    %scan3A = arith.constant 0 : i32
    %scan3A_5 = arith.constant 0 : i32
    %scan3A_6 = arith.constant 632 : i32
    %scan3A_7 = arith.addi %scan3A_5, %scan3A_6 : i32
    %scan3A_8 = arith.constant 1 : i32
    scf.for %scan3A_19 = %scan3A_5 to %scan3A_7 step %scan3A_8  : i32 {
      %get3A_20 = arith.index_cast %scan3A_19 : i32 to index
      %get3A_21 = arith.constant 0 : index
      %get3A_22 = tpu.vector_load %arg17[%get3A_20, %get3A_21] {strides = array<i32>} : memref<632x16xf32, #tpu.memory_space<vmem>>, vector<16xf32>,
      %get3A_23 = arith.index_cast %scan3A_19 : i32 to index
      %get3A_24 = arith.constant 0 : index
      %get3A_25 = tpu.vector_load %arg14[%get3A_23, %get3A_24] {strides = array<i32>} : memref<632x16xf32, #tpu.memory_space<vmem>>, vector<16xf32>,
      %get3A_26 = arith.index_cast %scan3A_19 : i32 to index
      %get3A_27 = arith.constant 0 : index
      %get3A_28 = tpu.vector_load %arg15[%get3A_26, %get3A_27] {strides = array<i32>} : memref<632x16xf32, #tpu.memory_space<vmem>>, vector<16xf32>,
      %add3A_29 = arith.addf %get3A_25, %get3A_28 : vector<16xf32>
      %get3A_30 = arith.index_cast %scan3A_19 : i32 to index
      %get3A_31 = arith.constant 0 : index
      %get3A_32 = tpu.vector_load %arg16[%get3A_30, %get3A_31] {strides = array<i32>} : memref<632x16xf32, #tpu.memory_space<vmem>>, vector<16xf32>,
      %add3A_33 = arith.addf %add3A_29, %get3A_32 : vector<16xf32>
      %mul3A_34 = arith.mulf %get3A_22, %add3A_33 : vector<16xf32>
      %add3A_35 = arith.addf %mul3A_34, %get3A_4 : vector<16xf32>
      %max3A = arith.constant 0.000000e+00 : f32
      %max3A_36 = vector.broadcast %max3A : f32 to vector<16xf32>
      %max3A_37 = arith.maximumf %add3A_35, %max3A_36 : vector<16xf32>
      %mul3A_38 = arith.mulf %max3A_37, %get3A_22 : vector<16xf32>
      %swap3A = arith.index_cast %scan3A_19 : i32 to index
      %swap3A_39 = arith.constant 0 : index
      %swap3A_40 = tpu.vector_load %arg14[%swap3A, %swap3A_39] {strides = array<i32>} : memref<632x16xf32, #tpu.memory_space<vmem>>, vector<16xf32>,
      tpu.vector_store %arg14[%swap3A, %swap3A_39], %mul3A_38 {strides = array<i32>} : memref<632x16xf32, #tpu.memory_space<vmem>>, vector<16xf32>,
    }
    %scan3A_9 = arith.constant 632 : i32
    "tpu.region"() ({
      %run_scoped3A_19 = tpu.sem_alloc : memref<!tpu.dma_semaphore, #tpu.memory_space<semaphore_mem>>
      %dma_start3A = arith.constant 0 : i32
      %dma_start3A_20 = tpu.memref_slice %arg20[%mul3A_2, %dma_start3A] : memref<10112x16xf32, #tpu.memory_space<vmem_shared>> -> memref<632x16xf32, #tpu.memory_space<vmem_shared>>
      %dma_start3A_21 = arith.constant 0 : i32
      %dma_start3A_22 = tpu.memref_slice %arg20[%mul3A_2, %dma_start3A_21] : memref<10112x16xf32, #tpu.memory_space<vmem_shared>> -> memref<632x16xf32, #tpu.memory_space<vmem_shared>>
      tpu.enqueue_dma source(%arg14 : memref<632x16xf32, #tpu.memory_space<vmem>>) target(%dma_start3A_22 : memref<632x16xf32, #tpu.memory_space<vmem_shared>>) target_semaphore(%run_scoped3A_19 : memref<!tpu.dma_semaphore, #tpu.memory_space<semaphore_mem>>)
      %dma_wait3A = arith.constant 0 : i32
      %dma_wait3A_23 = tpu.memref_slice %arg20[%mul3A_2, %dma_wait3A] : memref<10112x16xf32, #tpu.memory_space<vmem_shared>> -> memref<632x16xf32, #tpu.memory_space<vmem_shared>>
      %dma_wait3A_24 = arith.constant 0 : i32
      %dma_wait3A_25 = tpu.memref_slice %arg20[%mul3A_2, %dma_wait3A_24] : memref<10112x16xf32, #tpu.memory_space<vmem_shared>> -> memref<632x16xf32, #tpu.memory_space<vmem_shared>>
      tpu.wait_dma2 semaphore(%run_scoped3A_19 : memref<!tpu.dma_semaphore, #tpu.memory_space<semaphore_mem>>) src(%arg14 : memref<632x16xf32, #tpu.memory_space<vmem>>) dst(%dma_wait3A_25 : memref<632x16xf32, #tpu.memory_space<vmem_shared>>)
      tpu.yield
    }) : () -> ()
    %eq3A = arith.constant 0 : i32
    %eq3A_10 = arith.cmpi eq, %arg0, %eq3A : i32
    %convert_element_type3A = arith.extui %eq3A_10 : i1 to i32
    %cond3A = arith.constant 0 : i32
    %cond3A_11 = arith.cmpi ne, %convert_element_type3A, %cond3A : i32
    scf.if %cond3A_11 {
      "tpu.region"() ({
        %run_scoped3A_19 = tpu.sem_alloc : memref<!tpu.dma_semaphore, #tpu.memory_space<semaphore_mem>>
        %dma_start3A = arith.constant 0 : i32
        %dma_start3A_20 = tpu.memref_slice %arg10[%mul3A_2, %dma_start3A] : memref<10112x16xf32, #tpu.memory_space<hbm>> -> memref<632x16xf32, #tpu.memory_space<hbm>>
        %dma_start3A_21 = arith.constant 0 : i32
        %dma_start3A_22 = tpu.memref_slice %arg10[%mul3A_2, %dma_start3A_21] : memref<10112x16xf32, #tpu.memory_space<hbm>> -> memref<632x16xf32, #tpu.memory_space<hbm>>
        tpu.enqueue_dma source(%arg14 : memref<632x16xf32, #tpu.memory_space<vmem>>) target(%dma_start3A_22 : memref<632x16xf32, #tpu.memory_space<hbm>>) target_semaphore(%run_scoped3A_19 : memref<!tpu.dma_semaphore, #tpu.memory_space<semaphore_mem>>)
        %dma_wait3A = arith.constant 0 : i32
        %dma_wait3A_23 = tpu.memref_slice %arg10[%mul3A_2, %dma_wait3A] : memref<10112x16xf32, #tpu.memory_space<hbm>> -> memref<632x16xf32, #tpu.memory_space<hbm>>
        %dma_wait3A_24 = arith.constant 0 : i32
        %dma_wait3A_25 = tpu.memref_slice %arg10[%mul3A_2, %dma_wait3A_24] : memref<10112x16xf32, #tpu.memory_space<hbm>> -> memref<632x16xf32, #tpu.memory_space<hbm>>
        tpu.wait_dma2 semaphore(%run_scoped3A_19 : memref<!tpu.dma_semaphore, #tpu.memory_space<semaphore_mem>>) src(%arg14 : memref<632x16xf32, #tpu.memory_space<vmem>>) dst(%dma_wait3A_25 : memref<632x16xf32, #tpu.memory_space<hbm>>)
        tpu.yield
      }) : () -> ()
    } else {
    }
    %barrier3A = arith.constant 0 : index
    tpu.barrier barrier_id(%barrier3A)
    %scan3A_12 = arith.constant 0 : i32
    %scan3A_13 = arith.constant 0 : i32
    %scan3A_14 = arith.constant 5 : i32
    %scan3A_15 = arith.addi %scan3A_13, %scan3A_14 : i32
    %scan3A_16 = arith.constant 1 : i32
    scf.for %scan3A_19 = %scan3A_13 to %scan3A_15 step %scan3A_16  : i32 {
      %dma_start3A = arith.constant 0 : i32
      %dma_start3A_20 = tpu.memref_slice %arg11[%scan3A_19, %dma_start3A] : memref<5x2048xi32, #tpu.memory_space<vmem>> -> memref<1x2048xi32, #tpu.memory_space<vmem>>
      %dma_start3A_21 = tpu.memref_squeeze %dma_start3A_20 : memref<1x2048xi32, #tpu.memory_space<vmem>> -> memref<2048xi32, #tpu.memory_space<vmem>>
      %dma_start3A_22 = arith.constant 0 : i32
      %dma_start3A_23 = arith.constant 0 : i32
      %dma_start3A_24 = tpu.memref_slice %arg20[%dma_start3A_22, %dma_start3A_23] : memref<10112x16xf32, #tpu.memory_space<vmem_shared>> -> memref<10112x16xf32, #tpu.memory_space<vmem_shared>>
      tpu.enqueue_indirect_dma source(%dma_start3A_24 : memref<10112x16xf32, #tpu.memory_space<vmem_shared>>) target(%arg13 : memref<2048x16xf32, #tpu.memory_space<vmem>>) offsets(%dma_start3A_21 : memref<2048xi32, #tpu.memory_space<vmem>>) semaphore(%arg21 : memref<!tpu.dma_semaphore, #tpu.memory_space<semaphore_mem>>)
      %dma_wait3A = arith.constant 0 : i32
      %dma_wait3A_25 = tpu.memref_slice %arg11[%scan3A_19, %dma_wait3A] : memref<5x2048xi32, #tpu.memory_space<vmem>> -> memref<1x2048xi32, #tpu.memory_space<vmem>>
      %dma_wait3A_26 = tpu.memref_squeeze %dma_wait3A_25 : memref<1x2048xi32, #tpu.memory_space<vmem>> -> memref<2048xi32, #tpu.memory_space<vmem>>
      %dma_wait3A_27 = arith.constant 0 : i32
      %dma_wait3A_28 = arith.constant 0 : i32
      %dma_wait3A_29 = tpu.memref_slice %arg20[%dma_wait3A_27, %dma_wait3A_28] : memref<10112x16xf32, #tpu.memory_space<vmem_shared>> -> memref<10112x16xf32, #tpu.memory_space<vmem_shared>>
      tpu.wait_indirect_dma semaphore(%arg21 : memref<!tpu.dma_semaphore, #tpu.memory_space<semaphore_mem>>) src(%dma_wait3A_29 : memref<10112x16xf32, #tpu.memory_space<vmem_shared>>) dst(%arg13 : memref<2048x16xf32, #tpu.memory_space<vmem>>)
      "tpu.region"() ({
        %run_scoped3A_30 = tpu.sem_alloc : memref<!tpu.dma_semaphore, #tpu.memory_space<semaphore_mem>>
        %dma_start3A_31 = arith.constant 0 : i32
        %dma_start3A_32 = tpu.memref_slice %arg12[%scan3A_19, %dma_start3A_31] : memref<5x2048xi32, #tpu.memory_space<vmem>> -> memref<1x2048xi32, #tpu.memory_space<vmem>>
        %dma_start3A_33 = tpu.memref_squeeze %dma_start3A_32 : memref<1x2048xi32, #tpu.memory_space<vmem>> -> memref<2048xi32, #tpu.memory_space<vmem>>
        %dma_start3A_34 = arith.constant 0 : i32
        %dma_start3A_35 = arith.constant 0 : i32
        %dma_start3A_36 = tpu.memref_slice %arg19[%dma_start3A_34, %dma_start3A_35] : memref<10112x16xf32, #tpu.memory_space<vmem_shared>> -> memref<10112x16xf32, #tpu.memory_space<vmem_shared>>
        tpu.enqueue_indirect_dma source(%arg13 : memref<2048x16xf32, #tpu.memory_space<vmem>>) target(%dma_start3A_36 : memref<10112x16xf32, #tpu.memory_space<vmem_shared>>) offsets(%dma_start3A_33 : memref<2048xi32, #tpu.memory_space<vmem>>) semaphore(%run_scoped3A_30 : memref<!tpu.dma_semaphore, #tpu.memory_space<semaphore_mem>>) {add = true}
        %dma_wait3A_37 = arith.constant 0 : i32
        %dma_wait3A_38 = tpu.memref_slice %arg12[%scan3A_19, %dma_wait3A_37] : memref<5x2048xi32, #tpu.memory_space<vmem>> -> memref<1x2048xi32, #tpu.memory_space<vmem>>
        %dma_wait3A_39 = tpu.memref_squeeze %dma_wait3A_38 : memref<1x2048xi32, #tpu.memory_space<vmem>> -> memref<2048xi32, #tpu.memory_space<vmem>>
        %dma_wait3A_40 = arith.constant 0 : i32
        %dma_wait3A_41 = arith.constant 0 : i32
        %dma_wait3A_42 = tpu.memref_slice %arg19[%dma_wait3A_40, %dma_wait3A_41] : memref<10112x16xf32, #tpu.memory_space<vmem_shared>> -> memref<10112x16xf32, #tpu.memory_space<vmem_shared>>
        tpu.wait_indirect_dma semaphore(%run_scoped3A_30 : memref<!tpu.dma_semaphore, #tpu.memory_space<semaphore_mem>>) src(%arg13 : memref<2048x16xf32, #tpu.memory_space<vmem>>) dst(%dma_wait3A_42 : memref<10112x16xf32, #tpu.memory_space<vmem_shared>>)
        tpu.yield
      }) : () -> ()
    }
    %scan3A_17 = arith.constant 5 : i32
    %barrier3A_18 = arith.constant 0 : index
    tpu.barrier barrier_id(%barrier3A_18)
    "tpu.region"() ({
      %run_scoped3A_19 = tpu.sem_alloc : memref<!tpu.dma_semaphore, #tpu.memory_space<semaphore_mem>>
      %dma_start3A = arith.constant 0 : i32
      %dma_start3A_20 = tpu.memref_slice %arg9[%arg0, %mul3A_2, %dma_start3A] : memref<2x10112x16xf32, #tpu.memory_space<hbm>> -> memref<1x632x16xf32, #tpu.memory_space<hbm>>
      %dma_start3A_21 = tpu.memref_squeeze %dma_start3A_20 : memref<1x632x16xf32, #tpu.memory_space<hbm>> -> memref<632x16xf32, #tpu.memory_space<hbm>>
      %dma_start3A_22 = arith.constant 0 : i32
      %dma_start3A_23 = tpu.memref_slice %arg19[%mul3A_2, %dma_start3A_22] : memref<10112x16xf32, #tpu.memory_space<vmem_shared>> -> memref<632x16xf32, #tpu.memory_space<vmem_shared>>
      tpu.enqueue_dma source(%dma_start3A_23 : memref<632x16xf32, #tpu.memory_space<vmem_shared>>) target(%dma_start3A_21 : memref<632x16xf32, #tpu.memory_space<hbm>>) target_semaphore(%run_scoped3A_19 : memref<!tpu.dma_semaphore, #tpu.memory_space<semaphore_mem>>)
      %dma_wait3A = arith.constant 0 : i32
      %dma_wait3A_24 = tpu.memref_slice %arg9[%arg0, %mul3A_2, %dma_wait3A] : memref<2x10112x16xf32, #tpu.memory_space<hbm>> -> memref<1x632x16xf32, #tpu.memory_space<hbm>>
      %dma_wait3A_25 = tpu.memref_squeeze %dma_wait3A_24 : memref<1x632x16xf32, #tpu.memory_space<hbm>> -> memref<632x16xf32, #tpu.memory_space<hbm>>
      %dma_wait3A_26 = arith.constant 0 : i32
      %dma_wait3A_27 = tpu.memref_slice %arg19[%mul3A_2, %dma_wait3A_26] : memref<10112x16xf32, #tpu.memory_space<vmem_shared>> -> memref<632x16xf32, #tpu.memory_space<vmem_shared>>
      tpu.wait_dma2 semaphore(%run_scoped3A_19 : memref<!tpu.dma_semaphore, #tpu.memory_space<semaphore_mem>>) src(%dma_wait3A_27 : memref<632x16xf32, #tpu.memory_space<vmem_shared>>) dst(%dma_wait3A_25 : memref<632x16xf32, #tpu.memory_space<hbm>>)
      tpu.yield
    }) : () -> ()
    return
  }
}

#map = affine_map<(d0, d1) -> (0, 0, 0)>
#map1 = affine_map<(d0, d1) -> (0)>
#map2 = affine_map<(d0, d1) -> (0, 0)>
module attributes {stable_mosaic.version = 14 : i64} {
  func.func @_sc_deg_body(%arg0: i32, %arg1: i32, %arg2: memref<32x2x5120xi32, #tpu.memory_space<hbm>>, %arg3: memref<5120xf32, #tpu.memory_space<hbm>>, %arg4: memref<10112xf32, #tpu.memory_space<hbm>>, %arg5: memref<2x10112xf32, #tpu.memory_space<hbm>>, %arg6: memref<2x5120xi32, #tpu.memory_space<vmem>>, %arg7: memref<5120xf32, #tpu.memory_space<vmem>>, %arg8: memref<10112xf32, #tpu.memory_space<vmem_shared>>) attributes {dimension_semantics = [#tpu.dimension_semantics<core_parallel>, #tpu.dimension_semantics<subcore_parallel>], iteration_bounds = array<i64: 2, 16>, scalar_prefetch = 0 : i64, scratch_operands = 3 : i64, tpu.core_type = #tpu.core_type<sc_vector_subcore>, window_params = [{transform_indices = #map}, {transform_indices = #map1}, {transform_indices = #map1}, {transform_indices = #map2}]} {
    %mul3A = arith.constant 16 : i32
    %mul3A_0 = arith.muli %arg0, %mul3A : i32
    %add3A = arith.addi %mul3A_0, %arg1 : i32
    "tpu.region"() ({
      %run_scoped3A = tpu.sem_alloc : memref<!tpu.dma_semaphore, #tpu.memory_space<semaphore_mem>>
      %dma_start3A = arith.constant 0 : i32
      %dma_start3A_15 = arith.constant 0 : i32
      %dma_start3A_16 = tpu.memref_slice %arg2[%add3A, %dma_start3A, %dma_start3A_15] : memref<32x2x5120xi32, #tpu.memory_space<hbm>> -> memref<1x2x5120xi32, #tpu.memory_space<hbm>>
      %dma_start3A_17 = tpu.memref_squeeze %dma_start3A_16 : memref<1x2x5120xi32, #tpu.memory_space<hbm>> -> memref<2x5120xi32, #tpu.memory_space<hbm>>
      %dma_start3A_18 = arith.constant 0 : i32
      %dma_start3A_19 = arith.constant 0 : i32
      %dma_start3A_20 = tpu.memref_slice %arg2[%add3A, %dma_start3A_18, %dma_start3A_19] : memref<32x2x5120xi32, #tpu.memory_space<hbm>> -> memref<1x2x5120xi32, #tpu.memory_space<hbm>>
      %dma_start3A_21 = tpu.memref_squeeze %dma_start3A_20 : memref<1x2x5120xi32, #tpu.memory_space<hbm>> -> memref<2x5120xi32, #tpu.memory_space<hbm>>
      tpu.enqueue_dma source(%dma_start3A_21 : memref<2x5120xi32, #tpu.memory_space<hbm>>) target(%arg6 : memref<2x5120xi32, #tpu.memory_space<vmem>>) target_semaphore(%run_scoped3A : memref<!tpu.dma_semaphore, #tpu.memory_space<semaphore_mem>>)
      %dma_wait3A = arith.constant 0 : i32
      %dma_wait3A_22 = arith.constant 0 : i32
      %dma_wait3A_23 = tpu.memref_slice %arg2[%add3A, %dma_wait3A, %dma_wait3A_22] : memref<32x2x5120xi32, #tpu.memory_space<hbm>> -> memref<1x2x5120xi32, #tpu.memory_space<hbm>>
      %dma_wait3A_24 = tpu.memref_squeeze %dma_wait3A_23 : memref<1x2x5120xi32, #tpu.memory_space<hbm>> -> memref<2x5120xi32, #tpu.memory_space<hbm>>
      %dma_wait3A_25 = arith.constant 0 : i32
      %dma_wait3A_26 = arith.constant 0 : i32
      %dma_wait3A_27 = tpu.memref_slice %arg2[%add3A, %dma_wait3A_25, %dma_wait3A_26] : memref<32x2x5120xi32, #tpu.memory_space<hbm>> -> memref<1x2x5120xi32, #tpu.memory_space<hbm>>
      %dma_wait3A_28 = tpu.memref_squeeze %dma_wait3A_27 : memref<1x2x5120xi32, #tpu.memory_space<hbm>> -> memref<2x5120xi32, #tpu.memory_space<hbm>>
      tpu.wait_dma2 semaphore(%run_scoped3A : memref<!tpu.dma_semaphore, #tpu.memory_space<semaphore_mem>>) src(%dma_wait3A_28 : memref<2x5120xi32, #tpu.memory_space<hbm>>) dst(%arg6 : memref<2x5120xi32, #tpu.memory_space<vmem>>)
      tpu.yield
    }) : () -> ()
    "tpu.region"() ({
      %run_scoped3A = tpu.sem_alloc : memref<!tpu.dma_semaphore, #tpu.memory_space<semaphore_mem>>
      tpu.enqueue_dma source(%arg3 : memref<5120xf32, #tpu.memory_space<hbm>>) target(%arg7 : memref<5120xf32, #tpu.memory_space<vmem>>) target_semaphore(%run_scoped3A : memref<!tpu.dma_semaphore, #tpu.memory_space<semaphore_mem>>)
      tpu.wait_dma2 semaphore(%run_scoped3A : memref<!tpu.dma_semaphore, #tpu.memory_space<semaphore_mem>>) src(%arg3 : memref<5120xf32, #tpu.memory_space<hbm>>) dst(%arg7 : memref<5120xf32, #tpu.memory_space<vmem>>)
      tpu.yield
    }) : () -> ()
    %mul3A_1 = arith.constant 632 : i32
    %mul3A_2 = arith.muli %arg1, %mul3A_1 : i32
    %mul3A_3 = arith.constant 632 : i32
    %mul3A_4 = arith.muli %arg1, %mul3A_3 : i32
    "tpu.region"() ({
      %run_scoped3A = tpu.sem_alloc : memref<!tpu.dma_semaphore, #tpu.memory_space<semaphore_mem>>
      %dma_start3A = tpu.memref_slice %arg8[%mul3A_4] : memref<10112xf32, #tpu.memory_space<vmem_shared>> -> memref<632xf32, #tpu.memory_space<vmem_shared>>
      %dma_start3A_15 = tpu.memref_slice %arg4[%mul3A_2] : memref<10112xf32, #tpu.memory_space<hbm>> -> memref<632xf32, #tpu.memory_space<hbm>>
      tpu.enqueue_dma source(%dma_start3A_15 : memref<632xf32, #tpu.memory_space<hbm>>) target(%dma_start3A : memref<632xf32, #tpu.memory_space<vmem_shared>>) target_semaphore(%run_scoped3A : memref<!tpu.dma_semaphore, #tpu.memory_space<semaphore_mem>>)
      %dma_wait3A = tpu.memref_slice %arg8[%mul3A_4] : memref<10112xf32, #tpu.memory_space<vmem_shared>> -> memref<632xf32, #tpu.memory_space<vmem_shared>>
      %dma_wait3A_16 = tpu.memref_slice %arg4[%mul3A_2] : memref<10112xf32, #tpu.memory_space<hbm>> -> memref<632xf32, #tpu.memory_space<hbm>>
      tpu.wait_dma2 semaphore(%run_scoped3A : memref<!tpu.dma_semaphore, #tpu.memory_space<semaphore_mem>>) src(%dma_wait3A_16 : memref<632xf32, #tpu.memory_space<hbm>>) dst(%dma_wait3A : memref<632xf32, #tpu.memory_space<vmem_shared>>)
      tpu.yield
    }) : () -> ()
    %barrier3A = arith.constant 0 : index
    tpu.barrier barrier_id(%barrier3A)
    %scan3A = arith.constant 0 : i32
    %scan3A_5 = arith.constant 0 : i32
    %scan3A_6 = arith.constant 2 : i32
    %scan3A_7 = arith.addi %scan3A_5, %scan3A_6 : i32
    %scan3A_8 = arith.constant 1 : i32
    scf.for %scan3A_15 = %scan3A_5 to %scan3A_7 step %scan3A_8  : i32 {
      "tpu.region"() ({
        %run_scoped3A = tpu.sem_alloc : memref<!tpu.dma_semaphore, #tpu.memory_space<semaphore_mem>>
        %dma_start3A = arith.constant 0 : i32
        %dma_start3A_16 = tpu.memref_slice %arg6[%scan3A_15, %dma_start3A] : memref<2x5120xi32, #tpu.memory_space<vmem>> -> memref<1x5120xi32, #tpu.memory_space<vmem>>
        %dma_start3A_17 = tpu.memref_squeeze %dma_start3A_16 : memref<1x5120xi32, #tpu.memory_space<vmem>> -> memref<5120xi32, #tpu.memory_space<vmem>>
        %dma_start3A_18 = arith.constant 0 : i32
        %dma_start3A_19 = tpu.memref_slice %arg8[%dma_start3A_18] : memref<10112xf32, #tpu.memory_space<vmem_shared>> -> memref<10112xf32, #tpu.memory_space<vmem_shared>>
        tpu.enqueue_indirect_dma source(%arg7 : memref<5120xf32, #tpu.memory_space<vmem>>) target(%dma_start3A_19 : memref<10112xf32, #tpu.memory_space<vmem_shared>>) offsets(%dma_start3A_17 : memref<5120xi32, #tpu.memory_space<vmem>>) semaphore(%run_scoped3A : memref<!tpu.dma_semaphore, #tpu.memory_space<semaphore_mem>>) {add = true}
        %dma_wait3A = arith.constant 0 : i32
        %dma_wait3A_20 = tpu.memref_slice %arg6[%scan3A_15, %dma_wait3A] : memref<2x5120xi32, #tpu.memory_space<vmem>> -> memref<1x5120xi32, #tpu.memory_space<vmem>>
        %dma_wait3A_21 = tpu.memref_squeeze %dma_wait3A_20 : memref<1x5120xi32, #tpu.memory_space<vmem>> -> memref<5120xi32, #tpu.memory_space<vmem>>
        %dma_wait3A_22 = arith.constant 0 : i32
        %dma_wait3A_23 = tpu.memref_slice %arg8[%dma_wait3A_22] : memref<10112xf32, #tpu.memory_space<vmem_shared>> -> memref<10112xf32, #tpu.memory_space<vmem_shared>>
        tpu.wait_indirect_dma semaphore(%run_scoped3A : memref<!tpu.dma_semaphore, #tpu.memory_space<semaphore_mem>>) src(%arg7 : memref<5120xf32, #tpu.memory_space<vmem>>) dst(%dma_wait3A_23 : memref<10112xf32, #tpu.memory_space<vmem_shared>>)
        tpu.yield
      }) : () -> ()
    }
    %scan3A_9 = arith.constant 2 : i32
    %barrier3A_10 = arith.constant 0 : index
    tpu.barrier barrier_id(%barrier3A_10)
    %mul3A_11 = arith.constant 632 : i32
    %mul3A_12 = arith.muli %arg1, %mul3A_11 : i32
    %mul3A_13 = arith.constant 632 : i32
    %mul3A_14 = arith.muli %arg1, %mul3A_13 : i32
    "tpu.region"() ({
      %run_scoped3A = tpu.sem_alloc : memref<!tpu.dma_semaphore, #tpu.memory_space<semaphore_mem>>
      %dma_start3A = tpu.memref_slice %arg5[%arg0, %mul3A_14] : memref<2x10112xf32, #tpu.memory_space<hbm>> -> memref<1x632xf32, #tpu.memory_space<hbm>>
      %dma_start3A_15 = tpu.memref_squeeze %dma_start3A : memref<1x632xf32, #tpu.memory_space<hbm>> -> memref<632xf32, #tpu.memory_space<hbm>>
      %dma_start3A_16 = tpu.memref_slice %arg8[%mul3A_12] : memref<10112xf32, #tpu.memory_space<vmem_shared>> -> memref<632xf32, #tpu.memory_space<vmem_shared>>
      tpu.enqueue_dma source(%dma_start3A_16 : memref<632xf32, #tpu.memory_space<vmem_shared>>) target(%dma_start3A_15 : memref<632xf32, #tpu.memory_space<hbm>>) target_semaphore(%run_scoped3A : memref<!tpu.dma_semaphore, #tpu.memory_space<semaphore_mem>>)
      %dma_wait3A = tpu.memref_slice %arg5[%arg0, %mul3A_14] : memref<2x10112xf32, #tpu.memory_space<hbm>> -> memref<1x632xf32, #tpu.memory_space<hbm>>
      %dma_wait3A_17 = tpu.memref_squeeze %dma_wait3A : memref<1x632xf32, #tpu.memory_space<hbm>> -> memref<632xf32, #tpu.memory_space<hbm>>
      %dma_wait3A_18 = tpu.memref_slice %arg8[%mul3A_12] : memref<10112xf32, #tpu.memory_space<vmem_shared>> -> memref<632xf32, #tpu.memory_space<vmem_shared>>
      tpu.wait_dma2 semaphore(%run_scoped3A : memref<!tpu.dma_semaphore, #tpu.memory_space<semaphore_mem>>) src(%dma_wait3A_18 : memref<632xf32, #tpu.memory_space<vmem_shared>>) dst(%dma_wait3A_17 : memref<632xf32, #tpu.memory_space<hbm>>)
      tpu.yield
    }) : () -> ()
    return
  }
}

#map = affine_map<(d0, d1) -> (0, 0)>
#map1 = affine_map<(d0, d1) -> (0, 0, 0)>
module attributes {stable_mosaic.version = 14 : i64} {
  func.func @_sc_agg1_body(%arg0: i32, %arg1: i32, %arg2: memref<10112x16xf32, #tpu.memory_space<hbm>>, %arg3: memref<2x10112xf32, #tpu.memory_space<hbm>>, %arg4: memref<32x5x2048xi32, #tpu.memory_space<hbm>>, %arg5: memref<32x5x2048xi32, #tpu.memory_space<hbm>>, %arg6: memref<10112x16xf32, #tpu.memory_space<hbm>>, %arg7: memref<2x10112x16xf32, #tpu.memory_space<hbm>>, %arg8: memref<10112x16xf32, #tpu.memory_space<hbm>>, %arg9: memref<10112x16xf32, #tpu.memory_space<hbm>>, %arg10: memref<5x2048xi32, #tpu.memory_space<vmem>>, %arg11: memref<5x2048xi32, #tpu.memory_space<vmem>>, %arg12: memref<2048x16xf32, #tpu.memory_space<vmem>>, %arg13: memref<640x16xf32, #tpu.memory_space<vmem>>, %arg14: memref<640xf32, #tpu.memory_space<vmem>>, %arg15: memref<640xf32, #tpu.memory_space<vmem>>, %arg16: memref<640x16xf32, #tpu.memory_space<vmem>>, %arg17: memref<10112x16xf32, #tpu.memory_space<vmem_shared>>, %arg18: memref<10112x16xf32, #tpu.memory_space<vmem_shared>>, %arg19: memref<!tpu.dma_semaphore, #tpu.memory_space<semaphore_mem>>) attributes {dimension_semantics = [#tpu.dimension_semantics<core_parallel>, #tpu.dimension_semantics<subcore_parallel>], iteration_bounds = array<i64: 2, 16>, scalar_prefetch = 0 : i64, scratch_operands = 10 : i64, tpu.core_type = #tpu.core_type<sc_vector_subcore>, window_params = [{transform_indices = #map}, {transform_indices = #map}, {transform_indices = #map1}, {transform_indices = #map1}, {transform_indices = #map}, {transform_indices = #map1}, {transform_indices = #map}, {transform_indices = #map}]} {
    %mul3A = arith.constant 16 : i32
    %mul3A_0 = arith.muli %arg0, %mul3A : i32
    %add3A = arith.addi %mul3A_0, %arg1 : i32
    %mul3A_1 = arith.constant 632 : i32
    %mul3A_2 = arith.muli %arg1, %mul3A_1 : i32
    "tpu.region"() ({
      %run_scoped3A_18 = tpu.sem_alloc : memref<!tpu.dma_semaphore, #tpu.memory_space<semaphore_mem>>
      %dma_start3A = arith.constant 0 : i32
      %dma_start3A_19 = arith.constant 0 : i32
      %dma_start3A_20 = tpu.memref_slice %arg4[%add3A, %dma_start3A, %dma_start3A_19] : memref<32x5x2048xi32, #tpu.memory_space<hbm>> -> memref<1x5x2048xi32, #tpu.memory_space<hbm>>
      %dma_start3A_21 = tpu.memref_squeeze %dma_start3A_20 : memref<1x5x2048xi32, #tpu.memory_space<hbm>> -> memref<5x2048xi32, #tpu.memory_space<hbm>>
      %dma_start3A_22 = arith.constant 0 : i32
      %dma_start3A_23 = arith.constant 0 : i32
      %dma_start3A_24 = tpu.memref_slice %arg4[%add3A, %dma_start3A_22, %dma_start3A_23] : memref<32x5x2048xi32, #tpu.memory_space<hbm>> -> memref<1x5x2048xi32, #tpu.memory_space<hbm>>
      %dma_start3A_25 = tpu.memref_squeeze %dma_start3A_24 : memref<1x5x2048xi32, #tpu.memory_space<hbm>> -> memref<5x2048xi32, #tpu.memory_space<hbm>>
      tpu.enqueue_dma source(%dma_start3A_25 : memref<5x2048xi32, #tpu.memory_space<hbm>>) target(%arg10 : memref<5x2048xi32, #tpu.memory_space<vmem>>) target_semaphore(%run_scoped3A_18 : memref<!tpu.dma_semaphore, #tpu.memory_space<semaphore_mem>>)
      %dma_wait3A = arith.constant 0 : i32
      %dma_wait3A_26 = arith.constant 0 : i32
      %dma_wait3A_27 = tpu.memref_slice %arg4[%add3A, %dma_wait3A, %dma_wait3A_26] : memref<32x5x2048xi32, #tpu.memory_space<hbm>> -> memref<1x5x2048xi32, #tpu.memory_space<hbm>>
      %dma_wait3A_28 = tpu.memref_squeeze %dma_wait3A_27 : memref<1x5x2048xi32, #tpu.memory_space<hbm>> -> memref<5x2048xi32, #tpu.memory_space<hbm>>
      %dma_wait3A_29 = arith.constant 0 : i32
      %dma_wait3A_30 = arith.constant 0 : i32
      %dma_wait3A_31 = tpu.memref_slice %arg4[%add3A, %dma_wait3A_29, %dma_wait3A_30] : memref<32x5x2048xi32, #tpu.memory_space<hbm>> -> memref<1x5x2048xi32, #tpu.memory_space<hbm>>
      %dma_wait3A_32 = tpu.memref_squeeze %dma_wait3A_31 : memref<1x5x2048xi32, #tpu.memory_space<hbm>> -> memref<5x2048xi32, #tpu.memory_space<hbm>>
      tpu.wait_dma2 semaphore(%run_scoped3A_18 : memref<!tpu.dma_semaphore, #tpu.memory_space<semaphore_mem>>) src(%dma_wait3A_32 : memref<5x2048xi32, #tpu.memory_space<hbm>>) dst(%arg10 : memref<5x2048xi32, #tpu.memory_space<vmem>>)
      tpu.yield
    }) : () -> ()
    "tpu.region"() ({
      %run_scoped3A_18 = tpu.sem_alloc : memref<!tpu.dma_semaphore, #tpu.memory_space<semaphore_mem>>
      %dma_start3A = arith.constant 0 : i32
      %dma_start3A_19 = arith.constant 0 : i32
      %dma_start3A_20 = tpu.memref_slice %arg5[%add3A, %dma_start3A, %dma_start3A_19] : memref<32x5x2048xi32, #tpu.memory_space<hbm>> -> memref<1x5x2048xi32, #tpu.memory_space<hbm>>
      %dma_start3A_21 = tpu.memref_squeeze %dma_start3A_20 : memref<1x5x2048xi32, #tpu.memory_space<hbm>> -> memref<5x2048xi32, #tpu.memory_space<hbm>>
      %dma_start3A_22 = arith.constant 0 : i32
      %dma_start3A_23 = arith.constant 0 : i32
      %dma_start3A_24 = tpu.memref_slice %arg5[%add3A, %dma_start3A_22, %dma_start3A_23] : memref<32x5x2048xi32, #tpu.memory_space<hbm>> -> memref<1x5x2048xi32, #tpu.memory_space<hbm>>
      %dma_start3A_25 = tpu.memref_squeeze %dma_start3A_24 : memref<1x5x2048xi32, #tpu.memory_space<hbm>> -> memref<5x2048xi32, #tpu.memory_space<hbm>>
      tpu.enqueue_dma source(%dma_start3A_25 : memref<5x2048xi32, #tpu.memory_space<hbm>>) target(%arg11 : memref<5x2048xi32, #tpu.memory_space<vmem>>) target_semaphore(%run_scoped3A_18 : memref<!tpu.dma_semaphore, #tpu.memory_space<semaphore_mem>>)
      %dma_wait3A = arith.constant 0 : i32
      %dma_wait3A_26 = arith.constant 0 : i32
      %dma_wait3A_27 = tpu.memref_slice %arg5[%add3A, %dma_wait3A, %dma_wait3A_26] : memref<32x5x2048xi32, #tpu.memory_space<hbm>> -> memref<1x5x2048xi32, #tpu.memory_space<hbm>>
      %dma_wait3A_28 = tpu.memref_squeeze %dma_wait3A_27 : memref<1x5x2048xi32, #tpu.memory_space<hbm>> -> memref<5x2048xi32, #tpu.memory_space<hbm>>
      %dma_wait3A_29 = arith.constant 0 : i32
      %dma_wait3A_30 = arith.constant 0 : i32
      %dma_wait3A_31 = tpu.memref_slice %arg5[%add3A, %dma_wait3A_29, %dma_wait3A_30] : memref<32x5x2048xi32, #tpu.memory_space<hbm>> -> memref<1x5x2048xi32, #tpu.memory_space<hbm>>
      %dma_wait3A_32 = tpu.memref_squeeze %dma_wait3A_31 : memref<1x5x2048xi32, #tpu.memory_space<hbm>> -> memref<5x2048xi32, #tpu.memory_space<hbm>>
      tpu.wait_dma2 semaphore(%run_scoped3A_18 : memref<!tpu.dma_semaphore, #tpu.memory_space<semaphore_mem>>) src(%dma_wait3A_32 : memref<5x2048xi32, #tpu.memory_space<hbm>>) dst(%arg11 : memref<5x2048xi32, #tpu.memory_space<vmem>>)
      tpu.yield
    }) : () -> ()
    "tpu.region"() ({
      %run_scoped3A_18 = tpu.sem_alloc : memref<!tpu.dma_semaphore, #tpu.memory_space<semaphore_mem>>
      %dma_start3A = arith.constant 0 : i32
      %dma_start3A_19 = tpu.memref_slice %arg17[%mul3A_2, %dma_start3A] : memref<10112x16xf32, #tpu.memory_space<vmem_shared>> -> memref<632x16xf32, #tpu.memory_space<vmem_shared>>
      %dma_start3A_20 = arith.constant 0 : i32
      %dma_start3A_21 = tpu.memref_slice %arg6[%mul3A_2, %dma_start3A_20] : memref<10112x16xf32, #tpu.memory_space<hbm>> -> memref<632x16xf32, #tpu.memory_space<hbm>>
      tpu.enqueue_dma source(%dma_start3A_21 : memref<632x16xf32, #tpu.memory_space<hbm>>) target(%dma_start3A_19 : memref<632x16xf32, #tpu.memory_space<vmem_shared>>) target_semaphore(%run_scoped3A_18 : memref<!tpu.dma_semaphore, #tpu.memory_space<semaphore_mem>>)
      %dma_wait3A = arith.constant 0 : i32
      %dma_wait3A_22 = tpu.memref_slice %arg17[%mul3A_2, %dma_wait3A] : memref<10112x16xf32, #tpu.memory_space<vmem_shared>> -> memref<632x16xf32, #tpu.memory_space<vmem_shared>>
      %dma_wait3A_23 = arith.constant 0 : i32
      %dma_wait3A_24 = tpu.memref_slice %arg6[%mul3A_2, %dma_wait3A_23] : memref<10112x16xf32, #tpu.memory_space<hbm>> -> memref<632x16xf32, #tpu.memory_space<hbm>>
      tpu.wait_dma2 semaphore(%run_scoped3A_18 : memref<!tpu.dma_semaphore, #tpu.memory_space<semaphore_mem>>) src(%dma_wait3A_24 : memref<632x16xf32, #tpu.memory_space<hbm>>) dst(%dma_wait3A_22 : memref<632x16xf32, #tpu.memory_space<vmem_shared>>)
      tpu.yield
    }) : () -> ()
    "tpu.region"() ({
      %run_scoped3A_18 = tpu.sem_alloc : memref<!tpu.dma_semaphore, #tpu.memory_space<semaphore_mem>>
      %dma_start3A = arith.constant 0 : i32
      %dma_start3A_19 = arith.constant 0 : i32
      %dma_start3A_20 = tpu.memref_slice %arg13[%dma_start3A, %dma_start3A_19] : memref<640x16xf32, #tpu.memory_space<vmem>> -> memref<632x16xf32, #tpu.memory_space<vmem>>
      %dma_start3A_21 = arith.constant 0 : i32
      %dma_start3A_22 = tpu.memref_slice %arg2[%mul3A_2, %dma_start3A_21] : memref<10112x16xf32, #tpu.memory_space<hbm>> -> memref<632x16xf32, #tpu.memory_space<hbm>>
      %dma_start3A_23 = arith.constant 0 : i32
      %dma_start3A_24 = arith.constant 0 : i32
      %dma_start3A_25 = tpu.memref_slice %arg13[%dma_start3A_23, %dma_start3A_24] : memref<640x16xf32, #tpu.memory_space<vmem>> -> memref<632x16xf32, #tpu.memory_space<vmem>>
      %dma_start3A_26 = arith.constant 0 : i32
      %dma_start3A_27 = tpu.memref_slice %arg2[%mul3A_2, %dma_start3A_26] : memref<10112x16xf32, #tpu.memory_space<hbm>> -> memref<632x16xf32, #tpu.memory_space<hbm>>
      tpu.enqueue_dma source(%dma_start3A_27 : memref<632x16xf32, #tpu.memory_space<hbm>>) target(%dma_start3A_25 : memref<632x16xf32, #tpu.memory_space<vmem>>) target_semaphore(%run_scoped3A_18 : memref<!tpu.dma_semaphore, #tpu.memory_space<semaphore_mem>>)
      %dma_wait3A = arith.constant 0 : i32
      %dma_wait3A_28 = arith.constant 0 : i32
      %dma_wait3A_29 = tpu.memref_slice %arg13[%dma_wait3A, %dma_wait3A_28] : memref<640x16xf32, #tpu.memory_space<vmem>> -> memref<632x16xf32, #tpu.memory_space<vmem>>
      %dma_wait3A_30 = arith.constant 0 : i32
      %dma_wait3A_31 = tpu.memref_slice %arg2[%mul3A_2, %dma_wait3A_30] : memref<10112x16xf32, #tpu.memory_space<hbm>> -> memref<632x16xf32, #tpu.memory_space<hbm>>
      %dma_wait3A_32 = arith.constant 0 : i32
      %dma_wait3A_33 = arith.constant 0 : i32
      %dma_wait3A_34 = tpu.memref_slice %arg13[%dma_wait3A_32, %dma_wait3A_33] : memref<640x16xf32, #tpu.memory_space<vmem>> -> memref<632x16xf32, #tpu.memory_space<vmem>>
      %dma_wait3A_35 = arith.constant 0 : i32
      %dma_wait3A_36 = tpu.memref_slice %arg2[%mul3A_2, %dma_wait3A_35] : memref<10112x16xf32, #tpu.memory_space<hbm>> -> memref<632x16xf32, #tpu.memory_space<hbm>>
      tpu.wait_dma2 semaphore(%run_scoped3A_18 : memref<!tpu.dma_semaphore, #tpu.memory_space<semaphore_mem>>) src(%dma_wait3A_36 : memref<632x16xf32, #tpu.memory_space<hbm>>) dst(%dma_wait3A_34 : memref<632x16xf32, #tpu.memory_space<vmem>>)
      tpu.yield
    }) : () -> ()
    %run_scoped3A = arith.constant 0 : i32
    "tpu.region"() ({
      %run_scoped3A_18 = tpu.sem_alloc : memref<!tpu.dma_semaphore, #tpu.memory_space<semaphore_mem>>
      %dma_start3A = arith.constant 0 : i32
      %dma_start3A_19 = tpu.memref_slice %arg14[%dma_start3A] : memref<640xf32, #tpu.memory_space<vmem>> -> memref<632xf32, #tpu.memory_space<vmem>>
      %dma_start3A_20 = tpu.memref_slice %arg3[%run_scoped3A, %mul3A_2] : memref<2x10112xf32, #tpu.memory_space<hbm>> -> memref<1x632xf32, #tpu.memory_space<hbm>>
      %dma_start3A_21 = tpu.memref_squeeze %dma_start3A_20 : memref<1x632xf32, #tpu.memory_space<hbm>> -> memref<632xf32, #tpu.memory_space<hbm>>
      %dma_start3A_22 = arith.constant 0 : i32
      %dma_start3A_23 = tpu.memref_slice %arg14[%dma_start3A_22] : memref<640xf32, #tpu.memory_space<vmem>> -> memref<632xf32, #tpu.memory_space<vmem>>
      %dma_start3A_24 = tpu.memref_slice %arg3[%run_scoped3A, %mul3A_2] : memref<2x10112xf32, #tpu.memory_space<hbm>> -> memref<1x632xf32, #tpu.memory_space<hbm>>
      %dma_start3A_25 = tpu.memref_squeeze %dma_start3A_24 : memref<1x632xf32, #tpu.memory_space<hbm>> -> memref<632xf32, #tpu.memory_space<hbm>>
      tpu.enqueue_dma source(%dma_start3A_25 : memref<632xf32, #tpu.memory_space<hbm>>) target(%dma_start3A_23 : memref<632xf32, #tpu.memory_space<vmem>>) target_semaphore(%run_scoped3A_18 : memref<!tpu.dma_semaphore, #tpu.memory_space<semaphore_mem>>)
      %dma_wait3A = arith.constant 0 : i32
      %dma_wait3A_26 = tpu.memref_slice %arg14[%dma_wait3A] : memref<640xf32, #tpu.memory_space<vmem>> -> memref<632xf32, #tpu.memory_space<vmem>>
      %dma_wait3A_27 = tpu.memref_slice %arg3[%run_scoped3A, %mul3A_2] : memref<2x10112xf32, #tpu.memory_space<hbm>> -> memref<1x632xf32, #tpu.memory_space<hbm>>
      %dma_wait3A_28 = tpu.memref_squeeze %dma_wait3A_27 : memref<1x632xf32, #tpu.memory_space<hbm>> -> memref<632xf32, #tpu.memory_space<hbm>>
      %dma_wait3A_29 = arith.constant 0 : i32
      %dma_wait3A_30 = tpu.memref_slice %arg14[%dma_wait3A_29] : memref<640xf32, #tpu.memory_space<vmem>> -> memref<632xf32, #tpu.memory_space<vmem>>
      %dma_wait3A_31 = tpu.memref_slice %arg3[%run_scoped3A, %mul3A_2] : memref<2x10112xf32, #tpu.memory_space<hbm>> -> memref<1x632xf32, #tpu.memory_space<hbm>>
      %dma_wait3A_32 = tpu.memref_squeeze %dma_wait3A_31 : memref<1x632xf32, #tpu.memory_space<hbm>> -> memref<632xf32, #tpu.memory_space<hbm>>
      tpu.wait_dma2 semaphore(%run_scoped3A_18 : memref<!tpu.dma_semaphore, #tpu.memory_space<semaphore_mem>>) src(%dma_wait3A_32 : memref<632xf32, #tpu.memory_space<hbm>>) dst(%dma_wait3A_30 : memref<632xf32, #tpu.memory_space<vmem>>)
      tpu.yield
    }) : () -> ()
    %run_scoped3A_3 = arith.constant 1 : i32
    "tpu.region"() ({
      %run_scoped3A_18 = tpu.sem_alloc : memref<!tpu.dma_semaphore, #tpu.memory_space<semaphore_mem>>
      %dma_start3A = arith.constant 0 : i32
      %dma_start3A_19 = tpu.memref_slice %arg15[%dma_start3A] : memref<640xf32, #tpu.memory_space<vmem>> -> memref<632xf32, #tpu.memory_space<vmem>>
      %dma_start3A_20 = tpu.memref_slice %arg3[%run_scoped3A_3, %mul3A_2] : memref<2x10112xf32, #tpu.memory_space<hbm>> -> memref<1x632xf32, #tpu.memory_space<hbm>>
      %dma_start3A_21 = tpu.memref_squeeze %dma_start3A_20 : memref<1x632xf32, #tpu.memory_space<hbm>> -> memref<632xf32, #tpu.memory_space<hbm>>
      %dma_start3A_22 = arith.constant 0 : i32
      %dma_start3A_23 = tpu.memref_slice %arg15[%dma_start3A_22] : memref<640xf32, #tpu.memory_space<vmem>> -> memref<632xf32, #tpu.memory_space<vmem>>
      %dma_start3A_24 = tpu.memref_slice %arg3[%run_scoped3A_3, %mul3A_2] : memref<2x10112xf32, #tpu.memory_space<hbm>> -> memref<1x632xf32, #tpu.memory_space<hbm>>
      %dma_start3A_25 = tpu.memref_squeeze %dma_start3A_24 : memref<1x632xf32, #tpu.memory_space<hbm>> -> memref<632xf32, #tpu.memory_space<hbm>>
      tpu.enqueue_dma source(%dma_start3A_25 : memref<632xf32, #tpu.memory_space<hbm>>) target(%dma_start3A_23 : memref<632xf32, #tpu.memory_space<vmem>>) target_semaphore(%run_scoped3A_18 : memref<!tpu.dma_semaphore, #tpu.memory_space<semaphore_mem>>)
      %dma_wait3A = arith.constant 0 : i32
      %dma_wait3A_26 = tpu.memref_slice %arg15[%dma_wait3A] : memref<640xf32, #tpu.memory_space<vmem>> -> memref<632xf32, #tpu.memory_space<vmem>>
      %dma_wait3A_27 = tpu.memref_slice %arg3[%run_scoped3A_3, %mul3A_2] : memref<2x10112xf32, #tpu.memory_space<hbm>> -> memref<1x632xf32, #tpu.memory_space<hbm>>
      %dma_wait3A_28 = tpu.memref_squeeze %dma_wait3A_27 : memref<1x632xf32, #tpu.memory_space<hbm>> -> memref<632xf32, #tpu.memory_space<hbm>>
      %dma_wait3A_29 = arith.constant 0 : i32
      %dma_wait3A_30 = tpu.memref_slice %arg15[%dma_wait3A_29] : memref<640xf32, #tpu.memory_space<vmem>> -> memref<632xf32, #tpu.memory_space<vmem>>
      %dma_wait3A_31 = tpu.memref_slice %arg3[%run_scoped3A_3, %mul3A_2] : memref<2x10112xf32, #tpu.memory_space<hbm>> -> memref<1x632xf32, #tpu.memory_space<hbm>>
      %dma_wait3A_32 = tpu.memref_squeeze %dma_wait3A_31 : memref<1x632xf32, #tpu.memory_space<hbm>> -> memref<632xf32, #tpu.memory_space<hbm>>
      tpu.wait_dma2 semaphore(%run_scoped3A_18 : memref<!tpu.dma_semaphore, #tpu.memory_space<semaphore_mem>>) src(%dma_wait3A_32 : memref<632xf32, #tpu.memory_space<hbm>>) dst(%dma_wait3A_30 : memref<632xf32, #tpu.memory_space<vmem>>)
      tpu.yield
    }) : () -> ()
    %scan3A = arith.constant 0 : i32
    %scan3A_4 = arith.constant 0 : i32
    %scan3A_5 = arith.constant 40 : i32
    %scan3A_6 = arith.addi %scan3A_4, %scan3A_5 : i32
    %scan3A_7 = arith.constant 1 : i32
    scf.for %scan3A_18 = %scan3A_4 to %scan3A_6 step %scan3A_7  : i32 {
      %mul3A_19 = arith.constant 16 : i32
      %mul3A_20 = arith.muli %scan3A_18, %mul3A_19 : i32
      %get3A = arith.index_cast %mul3A_20 : i32 to index
      %get3A_21 = tpu.vector_load %arg14[%get3A] {strides = array<i32>} : memref<640xf32, #tpu.memory_space<vmem>>, vector<16xf32>,
      %add3A_22 = arith.constant 1.000000e+00 : f32
      %add3A_23 = vector.broadcast %add3A_22 : f32 to vector<16xf32>
      %add3A_24 = arith.addf %add3A_23, %get3A_21 : vector<16xf32>
      %get3A_25 = arith.index_cast %mul3A_20 : i32 to index
      %get3A_26 = tpu.vector_load %arg15[%get3A_25] {strides = array<i32>} : memref<640xf32, #tpu.memory_space<vmem>>, vector<16xf32>,
      %add3A_27 = arith.addf %add3A_24, %get3A_26 : vector<16xf32>
      %bitcast3A = vector.bitcast %add3A_27 : vector<16xf32> to vector<16xi32>
      %shift_right_logical3A = arith.constant 1 : i32
      %shift_right_logical3A_28 = vector.broadcast %shift_right_logical3A : i32 to vector<16xi32>
      %shift_right_logical3A_29 = arith.shrui %bitcast3A, %shift_right_logical3A_28 : vector<16xi32>
      %sub3A = arith.constant 1597463007 : i32
      %sub3A_30 = vector.broadcast %sub3A : i32 to vector<16xi32>
      %sub3A_31 = arith.subi %sub3A_30, %shift_right_logical3A_29 : vector<16xi32>
      %bitcast3A_32 = vector.bitcast %sub3A_31 : vector<16xi32> to vector<16xf32>
      %mul3A_33 = arith.constant 5.000000e-01 : f32
      %mul3A_34 = vector.broadcast %mul3A_33 : f32 to vector<16xf32>
      %mul3A_35 = arith.mulf %mul3A_34, %add3A_27 : vector<16xf32>
      %mul3A_36 = arith.mulf %mul3A_35, %bitcast3A_32 : vector<16xf32>
      %mul3A_37 = arith.mulf %mul3A_36, %bitcast3A_32 : vector<16xf32>
      %sub3A_38 = arith.constant 1.500000e+00 : f32
      %sub3A_39 = vector.broadcast %sub3A_38 : f32 to vector<16xf32>
      %sub3A_40 = arith.subf %sub3A_39, %mul3A_37 : vector<16xf32>
      %mul3A_41 = arith.mulf %bitcast3A_32, %sub3A_40 : vector<16xf32>
      %mul3A_42 = arith.constant 5.000000e-01 : f32
      %mul3A_43 = vector.broadcast %mul3A_42 : f32 to vector<16xf32>
      %mul3A_44 = arith.mulf %mul3A_43, %add3A_27 : vector<16xf32>
      %mul3A_45 = arith.mulf %mul3A_44, %mul3A_41 : vector<16xf32>
      %mul3A_46 = arith.mulf %mul3A_45, %mul3A_41 : vector<16xf32>
      %sub3A_47 = arith.constant 1.500000e+00 : f32
      %sub3A_48 = vector.broadcast %sub3A_47 : f32 to vector<16xf32>
      %sub3A_49 = arith.subf %sub3A_48, %mul3A_46 : vector<16xf32>
      %mul3A_50 = arith.mulf %mul3A_41, %sub3A_49 : vector<16xf32>
      %mul3A_51 = arith.constant 5.000000e-01 : f32
      %mul3A_52 = vector.broadcast %mul3A_51 : f32 to vector<16xf32>
      %mul3A_53 = arith.mulf %mul3A_52, %add3A_27 : vector<16xf32>
      %mul3A_54 = arith.mulf %mul3A_53, %mul3A_50 : vector<16xf32>
      %mul3A_55 = arith.mulf %mul3A_54, %mul3A_50 : vector<16xf32>
      %sub3A_56 = arith.constant 1.500000e+00 : f32
      %sub3A_57 = vector.broadcast %sub3A_56 : f32 to vector<16xf32>
      %sub3A_58 = arith.subf %sub3A_57, %mul3A_55 : vector<16xf32>
      %mul3A_59 = arith.mulf %mul3A_50, %sub3A_58 : vector<16xf32>
      %slice3A = vector.extract_strided_slice %mul3A_59 {offsets = [0], sizes = [1], strides = [1]} : vector<16xf32> to vector<1xf32>
      %squeeze3A = vector.extract %slice3A[0] : f32 from vector<1xf32>
      %broadcast_in_dim3A = vector.broadcast %squeeze3A : f32 to vector<16xf32>
      %add3A_60 = arith.constant 0 : i32
      %add3A_61 = arith.addi %mul3A_20, %add3A_60 : i32
      %swap3A = arith.index_cast %add3A_61 : i32 to index
      %swap3A_62 = arith.constant 0 : index
      %swap3A_63 = tpu.vector_load %arg16[%swap3A, %swap3A_62] {strides = array<i32>} : memref<640x16xf32, #tpu.memory_space<vmem>>, vector<16xf32>,
      tpu.vector_store %arg16[%swap3A, %swap3A_62], %broadcast_in_dim3A {strides = array<i32>} : memref<640x16xf32, #tpu.memory_space<vmem>>, vector<16xf32>,
      %add3A_64 = arith.constant 0 : i32
      %add3A_65 = arith.addi %mul3A_20, %add3A_64 : i32
      %get3A_66 = arith.index_cast %add3A_65 : i32 to index
      %get3A_67 = arith.constant 0 : index
      %get3A_68 = tpu.vector_load %arg13[%get3A_66, %get3A_67] {strides = array<i32>} : memref<640x16xf32, #tpu.memory_space<vmem>>, vector<16xf32>,
      %mul3A_69 = vector.broadcast %squeeze3A : f32 to vector<16xf32>
      %mul3A_70 = arith.mulf %get3A_68, %mul3A_69 : vector<16xf32>
      %add3A_71 = arith.constant 0 : i32
      %add3A_72 = arith.addi %mul3A_20, %add3A_71 : i32
      %swap3A_73 = arith.index_cast %add3A_72 : i32 to index
      %swap3A_74 = arith.constant 0 : index
      %swap3A_75 = tpu.vector_load %arg13[%swap3A_73, %swap3A_74] {strides = array<i32>} : memref<640x16xf32, #tpu.memory_space<vmem>>, vector<16xf32>,
      tpu.vector_store %arg13[%swap3A_73, %swap3A_74], %mul3A_70 {strides = array<i32>} : memref<640x16xf32, #tpu.memory_space<vmem>>, vector<16xf32>,
      %slice3A_76 = vector.extract_strided_slice %mul3A_59 {offsets = [1], sizes = [1], strides = [1]} : vector<16xf32> to vector<1xf32>
      %squeeze3A_77 = vector.extract %slice3A_76[0] : f32 from vector<1xf32>
      %broadcast_in_dim3A_78 = vector.broadcast %squeeze3A_77 : f32 to vector<16xf32>
      %add3A_79 = arith.constant 1 : i32
      %add3A_80 = arith.addi %mul3A_20, %add3A_79 : i32
      %swap3A_81 = arith.index_cast %add3A_80 : i32 to index
      %swap3A_82 = arith.constant 0 : index
      %swap3A_83 = tpu.vector_load %arg16[%swap3A_81, %swap3A_82] {strides = array<i32>} : memref<640x16xf32, #tpu.memory_space<vmem>>, vector<16xf32>,
      tpu.vector_store %arg16[%swap3A_81, %swap3A_82], %broadcast_in_dim3A_78 {strides = array<i32>} : memref<640x16xf32, #tpu.memory_space<vmem>>, vector<16xf32>,
      %add3A_84 = arith.constant 1 : i32
      %add3A_85 = arith.addi %mul3A_20, %add3A_84 : i32
      %get3A_86 = arith.index_cast %add3A_85 : i32 to index
      %get3A_87 = arith.constant 0 : index
      %get3A_88 = tpu.vector_load %arg13[%get3A_86, %get3A_87] {strides = array<i32>} : memref<640x16xf32, #tpu.memory_space<vmem>>, vector<16xf32>,
      %mul3A_89 = vector.broadcast %squeeze3A_77 : f32 to vector<16xf32>
      %mul3A_90 = arith.mulf %get3A_88, %mul3A_89 : vector<16xf32>
      %add3A_91 = arith.constant 1 : i32
      %add3A_92 = arith.addi %mul3A_20, %add3A_91 : i32
      %swap3A_93 = arith.index_cast %add3A_92 : i32 to index
      %swap3A_94 = arith.constant 0 : index
      %swap3A_95 = tpu.vector_load %arg13[%swap3A_93, %swap3A_94] {strides = array<i32>} : memref<640x16xf32, #tpu.memory_space<vmem>>, vector<16xf32>,
      tpu.vector_store %arg13[%swap3A_93, %swap3A_94], %mul3A_90 {strides = array<i32>} : memref<640x16xf32, #tpu.memory_space<vmem>>, vector<16xf32>,
      %slice3A_96 = vector.extract_strided_slice %mul3A_59 {offsets = [2], sizes = [1], strides = [1]} : vector<16xf32> to vector<1xf32>
      %squeeze3A_97 = vector.extract %slice3A_96[0] : f32 from vector<1xf32>
      %broadcast_in_dim3A_98 = vector.broadcast %squeeze3A_97 : f32 to vector<16xf32>
      %add3A_99 = arith.constant 2 : i32
      %add3A_100 = arith.addi %mul3A_20, %add3A_99 : i32
      %swap3A_101 = arith.index_cast %add3A_100 : i32 to index
      %swap3A_102 = arith.constant 0 : index
      %swap3A_103 = tpu.vector_load %arg16[%swap3A_101, %swap3A_102] {strides = array<i32>} : memref<640x16xf32, #tpu.memory_space<vmem>>, vector<16xf32>,
      tpu.vector_store %arg16[%swap3A_101, %swap3A_102], %broadcast_in_dim3A_98 {strides = array<i32>} : memref<640x16xf32, #tpu.memory_space<vmem>>, vector<16xf32>,
      %add3A_104 = arith.constant 2 : i32
      %add3A_105 = arith.addi %mul3A_20, %add3A_104 : i32
      %get3A_106 = arith.index_cast %add3A_105 : i32 to index
      %get3A_107 = arith.constant 0 : index
      %get3A_108 = tpu.vector_load %arg13[%get3A_106, %get3A_107] {strides = array<i32>} : memref<640x16xf32, #tpu.memory_space<vmem>>, vector<16xf32>,
      %mul3A_109 = vector.broadcast %squeeze3A_97 : f32 to vector<16xf32>
      %mul3A_110 = arith.mulf %get3A_108, %mul3A_109 : vector<16xf32>
      %add3A_111 = arith.constant 2 : i32
      %add3A_112 = arith.addi %mul3A_20, %add3A_111 : i32
      %swap3A_113 = arith.index_cast %add3A_112 : i32 to index
      %swap3A_114 = arith.constant 0 : index
      %swap3A_115 = tpu.vector_load %arg13[%swap3A_113, %swap3A_114] {strides = array<i32>} : memref<640x16xf32, #tpu.memory_space<vmem>>, vector<16xf32>,
      tpu.vector_store %arg13[%swap3A_113, %swap3A_114], %mul3A_110 {strides = array<i32>} : memref<640x16xf32, #tpu.memory_space<vmem>>, vector<16xf32>,
      %slice3A_116 = vector.extract_strided_slice %mul3A_59 {offsets = [3], sizes = [1], strides = [1]} : vector<16xf32> to vector<1xf32>
      %squeeze3A_117 = vector.extract %slice3A_116[0] : f32 from vector<1xf32>
      %broadcast_in_dim3A_118 = vector.broadcast %squeeze3A_117 : f32 to vector<16xf32>
      %add3A_119 = arith.constant 3 : i32
      %add3A_120 = arith.addi %mul3A_20, %add3A_119 : i32
      %swap3A_121 = arith.index_cast %add3A_120 : i32 to index
      %swap3A_122 = arith.constant 0 : index
      %swap3A_123 = tpu.vector_load %arg16[%swap3A_121, %swap3A_122] {strides = array<i32>} : memref<640x16xf32, #tpu.memory_space<vmem>>, vector<16xf32>,
      tpu.vector_store %arg16[%swap3A_121, %swap3A_122], %broadcast_in_dim3A_118 {strides = array<i32>} : memref<640x16xf32, #tpu.memory_space<vmem>>, vector<16xf32>,
      %add3A_124 = arith.constant 3 : i32
      %add3A_125 = arith.addi %mul3A_20, %add3A_124 : i32
      %get3A_126 = arith.index_cast %add3A_125 : i32 to index
      %get3A_127 = arith.constant 0 : index
      %get3A_128 = tpu.vector_load %arg13[%get3A_126, %get3A_127] {strides = array<i32>} : memref<640x16xf32, #tpu.memory_space<vmem>>, vector<16xf32>,
      %mul3A_129 = vector.broadcast %squeeze3A_117 : f32 to vector<16xf32>
      %mul3A_130 = arith.mulf %get3A_128, %mul3A_129 : vector<16xf32>
      %add3A_131 = arith.constant 3 : i32
      %add3A_132 = arith.addi %mul3A_20, %add3A_131 : i32
      %swap3A_133 = arith.index_cast %add3A_132 : i32 to index
      %swap3A_134 = arith.constant 0 : index
      %swap3A_135 = tpu.vector_load %arg13[%swap3A_133, %swap3A_134] {strides = array<i32>} : memref<640x16xf32, #tpu.memory_space<vmem>>, vector<16xf32>,
      tpu.vector_store %arg13[%swap3A_133, %swap3A_134], %mul3A_130 {strides = array<i32>} : memref<640x16xf32, #tpu.memory_space<vmem>>, vector<16xf32>,
      %slice3A_136 = vector.extract_strided_slice %mul3A_59 {offsets = [4], sizes = [1], strides = [1]} : vector<16xf32> to vector<1xf32>
      %squeeze3A_137 = vector.extract %slice3A_136[0] : f32 from vector<1xf32>
      %broadcast_in_dim3A_138 = vector.broadcast %squeeze3A_137 : f32 to vector<16xf32>
      %add3A_139 = arith.constant 4 : i32
      %add3A_140 = arith.addi %mul3A_20, %add3A_139 : i32
      %swap3A_141 = arith.index_cast %add3A_140 : i32 to index
      %swap3A_142 = arith.constant 0 : index
      %swap3A_143 = tpu.vector_load %arg16[%swap3A_141, %swap3A_142] {strides = array<i32>} : memref<640x16xf32, #tpu.memory_space<vmem>>, vector<16xf32>,
      tpu.vector_store %arg16[%swap3A_141, %swap3A_142], %broadcast_in_dim3A_138 {strides = array<i32>} : memref<640x16xf32, #tpu.memory_space<vmem>>, vector<16xf32>,
      %add3A_144 = arith.constant 4 : i32
      %add3A_145 = arith.addi %mul3A_20, %add3A_144 : i32
      %get3A_146 = arith.index_cast %add3A_145 : i32 to index
      %get3A_147 = arith.constant 0 : index
      %get3A_148 = tpu.vector_load %arg13[%get3A_146, %get3A_147] {strides = array<i32>} : memref<640x16xf32, #tpu.memory_space<vmem>>, vector<16xf32>,
      %mul3A_149 = vector.broadcast %squeeze3A_137 : f32 to vector<16xf32>
      %mul3A_150 = arith.mulf %get3A_148, %mul3A_149 : vector<16xf32>
      %add3A_151 = arith.constant 4 : i32
      %add3A_152 = arith.addi %mul3A_20, %add3A_151 : i32
      %swap3A_153 = arith.index_cast %add3A_152 : i32 to index
      %swap3A_154 = arith.constant 0 : index
      %swap3A_155 = tpu.vector_load %arg13[%swap3A_153, %swap3A_154] {strides = array<i32>} : memref<640x16xf32, #tpu.memory_space<vmem>>, vector<16xf32>,
      tpu.vector_store %arg13[%swap3A_153, %swap3A_154], %mul3A_150 {strides = array<i32>} : memref<640x16xf32, #tpu.memory_space<vmem>>, vector<16xf32>,
      %slice3A_156 = vector.extract_strided_slice %mul3A_59 {offsets = [5], sizes = [1], strides = [1]} : vector<16xf32> to vector<1xf32>
      %squeeze3A_157 = vector.extract %slice3A_156[0] : f32 from vector<1xf32>
      %broadcast_in_dim3A_158 = vector.broadcast %squeeze3A_157 : f32 to vector<16xf32>
      %add3A_159 = arith.constant 5 : i32
      %add3A_160 = arith.addi %mul3A_20, %add3A_159 : i32
      %swap3A_161 = arith.index_cast %add3A_160 : i32 to index
      %swap3A_162 = arith.constant 0 : index
      %swap3A_163 = tpu.vector_load %arg16[%swap3A_161, %swap3A_162] {strides = array<i32>} : memref<640x16xf32, #tpu.memory_space<vmem>>, vector<16xf32>,
      tpu.vector_store %arg16[%swap3A_161, %swap3A_162], %broadcast_in_dim3A_158 {strides = array<i32>} : memref<640x16xf32, #tpu.memory_space<vmem>>, vector<16xf32>,
      %add3A_164 = arith.constant 5 : i32
      %add3A_165 = arith.addi %mul3A_20, %add3A_164 : i32
      %get3A_166 = arith.index_cast %add3A_165 : i32 to index
      %get3A_167 = arith.constant 0 : index
      %get3A_168 = tpu.vector_load %arg13[%get3A_166, %get3A_167] {strides = array<i32>} : memref<640x16xf32, #tpu.memory_space<vmem>>, vector<16xf32>,
      %mul3A_169 = vector.broadcast %squeeze3A_157 : f32 to vector<16xf32>
      %mul3A_170 = arith.mulf %get3A_168, %mul3A_169 : vector<16xf32>
      %add3A_171 = arith.constant 5 : i32
      %add3A_172 = arith.addi %mul3A_20, %add3A_171 : i32
      %swap3A_173 = arith.index_cast %add3A_172 : i32 to index
      %swap3A_174 = arith.constant 0 : index
      %swap3A_175 = tpu.vector_load %arg13[%swap3A_173, %swap3A_174] {strides = array<i32>} : memref<640x16xf32, #tpu.memory_space<vmem>>, vector<16xf32>,
      tpu.vector_store %arg13[%swap3A_173, %swap3A_174], %mul3A_170 {strides = array<i32>} : memref<640x16xf32, #tpu.memory_space<vmem>>, vector<16xf32>,
      %slice3A_176 = vector.extract_strided_slice %mul3A_59 {offsets = [6], sizes = [1], strides = [1]} : vector<16xf32> to vector<1xf32>
      %squeeze3A_177 = vector.extract %slice3A_176[0] : f32 from vector<1xf32>
      %broadcast_in_dim3A_178 = vector.broadcast %squeeze3A_177 : f32 to vector<16xf32>
      %add3A_179 = arith.constant 6 : i32
      %add3A_180 = arith.addi %mul3A_20, %add3A_179 : i32
      %swap3A_181 = arith.index_cast %add3A_180 : i32 to index
      %swap3A_182 = arith.constant 0 : index
      %swap3A_183 = tpu.vector_load %arg16[%swap3A_181, %swap3A_182] {strides = array<i32>} : memref<640x16xf32, #tpu.memory_space<vmem>>, vector<16xf32>,
      tpu.vector_store %arg16[%swap3A_181, %swap3A_182], %broadcast_in_dim3A_178 {strides = array<i32>} : memref<640x16xf32, #tpu.memory_space<vmem>>, vector<16xf32>,
      %add3A_184 = arith.constant 6 : i32
      %add3A_185 = arith.addi %mul3A_20, %add3A_184 : i32
      %get3A_186 = arith.index_cast %add3A_185 : i32 to index
      %get3A_187 = arith.constant 0 : index
      %get3A_188 = tpu.vector_load %arg13[%get3A_186, %get3A_187] {strides = array<i32>} : memref<640x16xf32, #tpu.memory_space<vmem>>, vector<16xf32>,
      %mul3A_189 = vector.broadcast %squeeze3A_177 : f32 to vector<16xf32>
      %mul3A_190 = arith.mulf %get3A_188, %mul3A_189 : vector<16xf32>
      %add3A_191 = arith.constant 6 : i32
      %add3A_192 = arith.addi %mul3A_20, %add3A_191 : i32
      %swap3A_193 = arith.index_cast %add3A_192 : i32 to index
      %swap3A_194 = arith.constant 0 : index
      %swap3A_195 = tpu.vector_load %arg13[%swap3A_193, %swap3A_194] {strides = array<i32>} : memref<640x16xf32, #tpu.memory_space<vmem>>, vector<16xf32>,
      tpu.vector_store %arg13[%swap3A_193, %swap3A_194], %mul3A_190 {strides = array<i32>} : memref<640x16xf32, #tpu.memory_space<vmem>>, vector<16xf32>,
      %slice3A_196 = vector.extract_strided_slice %mul3A_59 {offsets = [7], sizes = [1], strides = [1]} : vector<16xf32> to vector<1xf32>
      %squeeze3A_197 = vector.extract %slice3A_196[0] : f32 from vector<1xf32>
      %broadcast_in_dim3A_198 = vector.broadcast %squeeze3A_197 : f32 to vector<16xf32>
      %add3A_199 = arith.constant 7 : i32
      %add3A_200 = arith.addi %mul3A_20, %add3A_199 : i32
      %swap3A_201 = arith.index_cast %add3A_200 : i32 to index
      %swap3A_202 = arith.constant 0 : index
      %swap3A_203 = tpu.vector_load %arg16[%swap3A_201, %swap3A_202] {strides = array<i32>} : memref<640x16xf32, #tpu.memory_space<vmem>>, vector<16xf32>,
      tpu.vector_store %arg16[%swap3A_201, %swap3A_202], %broadcast_in_dim3A_198 {strides = array<i32>} : memref<640x16xf32, #tpu.memory_space<vmem>>, vector<16xf32>,
      %add3A_204 = arith.constant 7 : i32
      %add3A_205 = arith.addi %mul3A_20, %add3A_204 : i32
      %get3A_206 = arith.index_cast %add3A_205 : i32 to index
      %get3A_207 = arith.constant 0 : index
      %get3A_208 = tpu.vector_load %arg13[%get3A_206, %get3A_207] {strides = array<i32>} : memref<640x16xf32, #tpu.memory_space<vmem>>, vector<16xf32>,
      %mul3A_209 = vector.broadcast %squeeze3A_197 : f32 to vector<16xf32>
      %mul3A_210 = arith.mulf %get3A_208, %mul3A_209 : vector<16xf32>
      %add3A_211 = arith.constant 7 : i32
      %add3A_212 = arith.addi %mul3A_20, %add3A_211 : i32
      %swap3A_213 = arith.index_cast %add3A_212 : i32 to index
      %swap3A_214 = arith.constant 0 : index
      %swap3A_215 = tpu.vector_load %arg13[%swap3A_213, %swap3A_214] {strides = array<i32>} : memref<640x16xf32, #tpu.memory_space<vmem>>, vector<16xf32>,
      tpu.vector_store %arg13[%swap3A_213, %swap3A_214], %mul3A_210 {strides = array<i32>} : memref<640x16xf32, #tpu.memory_space<vmem>>, vector<16xf32>,
      %slice3A_216 = vector.extract_strided_slice %mul3A_59 {offsets = [8], sizes = [1], strides = [1]} : vector<16xf32> to vector<1xf32>
      %squeeze3A_217 = vector.extract %slice3A_216[0] : f32 from vector<1xf32>
      %broadcast_in_dim3A_218 = vector.broadcast %squeeze3A_217 : f32 to vector<16xf32>
      %add3A_219 = arith.constant 8 : i32
      %add3A_220 = arith.addi %mul3A_20, %add3A_219 : i32
      %swap3A_221 = arith.index_cast %add3A_220 : i32 to index
      %swap3A_222 = arith.constant 0 : index
      %swap3A_223 = tpu.vector_load %arg16[%swap3A_221, %swap3A_222] {strides = array<i32>} : memref<640x16xf32, #tpu.memory_space<vmem>>, vector<16xf32>,
      tpu.vector_store %arg16[%swap3A_221, %swap3A_222], %broadcast_in_dim3A_218 {strides = array<i32>} : memref<640x16xf32, #tpu.memory_space<vmem>>, vector<16xf32>,
      %add3A_224 = arith.constant 8 : i32
      %add3A_225 = arith.addi %mul3A_20, %add3A_224 : i32
      %get3A_226 = arith.index_cast %add3A_225 : i32 to index
      %get3A_227 = arith.constant 0 : index
      %get3A_228 = tpu.vector_load %arg13[%get3A_226, %get3A_227] {strides = array<i32>} : memref<640x16xf32, #tpu.memory_space<vmem>>, vector<16xf32>,
      %mul3A_229 = vector.broadcast %squeeze3A_217 : f32 to vector<16xf32>
      %mul3A_230 = arith.mulf %get3A_228, %mul3A_229 : vector<16xf32>
      %add3A_231 = arith.constant 8 : i32
      %add3A_232 = arith.addi %mul3A_20, %add3A_231 : i32
      %swap3A_233 = arith.index_cast %add3A_232 : i32 to index
      %swap3A_234 = arith.constant 0 : index
      %swap3A_235 = tpu.vector_load %arg13[%swap3A_233, %swap3A_234] {strides = array<i32>} : memref<640x16xf32, #tpu.memory_space<vmem>>, vector<16xf32>,
      tpu.vector_store %arg13[%swap3A_233, %swap3A_234], %mul3A_230 {strides = array<i32>} : memref<640x16xf32, #tpu.memory_space<vmem>>, vector<16xf32>,
      %slice3A_236 = vector.extract_strided_slice %mul3A_59 {offsets = [9], sizes = [1], strides = [1]} : vector<16xf32> to vector<1xf32>
      %squeeze3A_237 = vector.extract %slice3A_236[0] : f32 from vector<1xf32>
      %broadcast_in_dim3A_238 = vector.broadcast %squeeze3A_237 : f32 to vector<16xf32>
      %add3A_239 = arith.constant 9 : i32
      %add3A_240 = arith.addi %mul3A_20, %add3A_239 : i32
      %swap3A_241 = arith.index_cast %add3A_240 : i32 to index
      %swap3A_242 = arith.constant 0 : index
      %swap3A_243 = tpu.vector_load %arg16[%swap3A_241, %swap3A_242] {strides = array<i32>} : memref<640x16xf32, #tpu.memory_space<vmem>>, vector<16xf32>,
      tpu.vector_store %arg16[%swap3A_241, %swap3A_242], %broadcast_in_dim3A_238 {strides = array<i32>} : memref<640x16xf32, #tpu.memory_space<vmem>>, vector<16xf32>,
      %add3A_244 = arith.constant 9 : i32
      %add3A_245 = arith.addi %mul3A_20, %add3A_244 : i32
      %get3A_246 = arith.index_cast %add3A_245 : i32 to index
      %get3A_247 = arith.constant 0 : index
      %get3A_248 = tpu.vector_load %arg13[%get3A_246, %get3A_247] {strides = array<i32>} : memref<640x16xf32, #tpu.memory_space<vmem>>, vector<16xf32>,
      %mul3A_249 = vector.broadcast %squeeze3A_237 : f32 to vector<16xf32>
      %mul3A_250 = arith.mulf %get3A_248, %mul3A_249 : vector<16xf32>
      %add3A_251 = arith.constant 9 : i32
      %add3A_252 = arith.addi %mul3A_20, %add3A_251 : i32
      %swap3A_253 = arith.index_cast %add3A_252 : i32 to index
      %swap3A_254 = arith.constant 0 : index
      %swap3A_255 = tpu.vector_load %arg13[%swap3A_253, %swap3A_254] {strides = array<i32>} : memref<640x16xf32, #tpu.memory_space<vmem>>, vector<16xf32>,
      tpu.vector_store %arg13[%swap3A_253, %swap3A_254], %mul3A_250 {strides = array<i32>} : memref<640x16xf32, #tpu.memory_space<vmem>>, vector<16xf32>,
      %slice3A_256 = vector.extract_strided_slice %mul3A_59 {offsets = [10], sizes = [1], strides = [1]} : vector<16xf32> to vector<1xf32>
      %squeeze3A_257 = vector.extract %slice3A_256[0] : f32 from vector<1xf32>
      %broadcast_in_dim3A_258 = vector.broadcast %squeeze3A_257 : f32 to vector<16xf32>
      %add3A_259 = arith.constant 10 : i32
      %add3A_260 = arith.addi %mul3A_20, %add3A_259 : i32
      %swap3A_261 = arith.index_cast %add3A_260 : i32 to index
      %swap3A_262 = arith.constant 0 : index
      %swap3A_263 = tpu.vector_load %arg16[%swap3A_261, %swap3A_262] {strides = array<i32>} : memref<640x16xf32, #tpu.memory_space<vmem>>, vector<16xf32>,
      tpu.vector_store %arg16[%swap3A_261, %swap3A_262], %broadcast_in_dim3A_258 {strides = array<i32>} : memref<640x16xf32, #tpu.memory_space<vmem>>, vector<16xf32>,
      %add3A_264 = arith.constant 10 : i32
      %add3A_265 = arith.addi %mul3A_20, %add3A_264 : i32
      %get3A_266 = arith.index_cast %add3A_265 : i32 to index
      %get3A_267 = arith.constant 0 : index
      %get3A_268 = tpu.vector_load %arg13[%get3A_266, %get3A_267] {strides = array<i32>} : memref<640x16xf32, #tpu.memory_space<vmem>>, vector<16xf32>,
      %mul3A_269 = vector.broadcast %squeeze3A_257 : f32 to vector<16xf32>
      %mul3A_270 = arith.mulf %get3A_268, %mul3A_269 : vector<16xf32>
      %add3A_271 = arith.constant 10 : i32
      %add3A_272 = arith.addi %mul3A_20, %add3A_271 : i32
      %swap3A_273 = arith.index_cast %add3A_272 : i32 to index
      %swap3A_274 = arith.constant 0 : index
      %swap3A_275 = tpu.vector_load %arg13[%swap3A_273, %swap3A_274] {strides = array<i32>} : memref<640x16xf32, #tpu.memory_space<vmem>>, vector<16xf32>,
      tpu.vector_store %arg13[%swap3A_273, %swap3A_274], %mul3A_270 {strides = array<i32>} : memref<640x16xf32, #tpu.memory_space<vmem>>, vector<16xf32>,
      %slice3A_276 = vector.extract_strided_slice %mul3A_59 {offsets = [11], sizes = [1], strides = [1]} : vector<16xf32> to vector<1xf32>
      %squeeze3A_277 = vector.extract %slice3A_276[0] : f32 from vector<1xf32>
      %broadcast_in_dim3A_278 = vector.broadcast %squeeze3A_277 : f32 to vector<16xf32>
      %add3A_279 = arith.constant 11 : i32
      %add3A_280 = arith.addi %mul3A_20, %add3A_279 : i32
      %swap3A_281 = arith.index_cast %add3A_280 : i32 to index
      %swap3A_282 = arith.constant 0 : index
      %swap3A_283 = tpu.vector_load %arg16[%swap3A_281, %swap3A_282] {strides = array<i32>} : memref<640x16xf32, #tpu.memory_space<vmem>>, vector<16xf32>,
      tpu.vector_store %arg16[%swap3A_281, %swap3A_282], %broadcast_in_dim3A_278 {strides = array<i32>} : memref<640x16xf32, #tpu.memory_space<vmem>>, vector<16xf32>,
      %add3A_284 = arith.constant 11 : i32
      %add3A_285 = arith.addi %mul3A_20, %add3A_284 : i32
      %get3A_286 = arith.index_cast %add3A_285 : i32 to index
      %get3A_287 = arith.constant 0 : index
      %get3A_288 = tpu.vector_load %arg13[%get3A_286, %get3A_287] {strides = array<i32>} : memref<640x16xf32, #tpu.memory_space<vmem>>, vector<16xf32>,
      %mul3A_289 = vector.broadcast %squeeze3A_277 : f32 to vector<16xf32>
      %mul3A_290 = arith.mulf %get3A_288, %mul3A_289 : vector<16xf32>
      %add3A_291 = arith.constant 11 : i32
      %add3A_292 = arith.addi %mul3A_20, %add3A_291 : i32
      %swap3A_293 = arith.index_cast %add3A_292 : i32 to index
      %swap3A_294 = arith.constant 0 : index
      %swap3A_295 = tpu.vector_load %arg13[%swap3A_293, %swap3A_294] {strides = array<i32>} : memref<640x16xf32, #tpu.memory_space<vmem>>, vector<16xf32>,
      tpu.vector_store %arg13[%swap3A_293, %swap3A_294], %mul3A_290 {strides = array<i32>} : memref<640x16xf32, #tpu.memory_space<vmem>>, vector<16xf32>,
      %slice3A_296 = vector.extract_strided_slice %mul3A_59 {offsets = [12], sizes = [1], strides = [1]} : vector<16xf32> to vector<1xf32>
      %squeeze3A_297 = vector.extract %slice3A_296[0] : f32 from vector<1xf32>
      %broadcast_in_dim3A_298 = vector.broadcast %squeeze3A_297 : f32 to vector<16xf32>
      %add3A_299 = arith.constant 12 : i32
      %add3A_300 = arith.addi %mul3A_20, %add3A_299 : i32
      %swap3A_301 = arith.index_cast %add3A_300 : i32 to index
      %swap3A_302 = arith.constant 0 : index
      %swap3A_303 = tpu.vector_load %arg16[%swap3A_301, %swap3A_302] {strides = array<i32>} : memref<640x16xf32, #tpu.memory_space<vmem>>, vector<16xf32>,
      tpu.vector_store %arg16[%swap3A_301, %swap3A_302], %broadcast_in_dim3A_298 {strides = array<i32>} : memref<640x16xf32, #tpu.memory_space<vmem>>, vector<16xf32>,
      %add3A_304 = arith.constant 12 : i32
      %add3A_305 = arith.addi %mul3A_20, %add3A_304 : i32
      %get3A_306 = arith.index_cast %add3A_305 : i32 to index
      %get3A_307 = arith.constant 0 : index
      %get3A_308 = tpu.vector_load %arg13[%get3A_306, %get3A_307] {strides = array<i32>} : memref<640x16xf32, #tpu.memory_space<vmem>>, vector<16xf32>,
      %mul3A_309 = vector.broadcast %squeeze3A_297 : f32 to vector<16xf32>
      %mul3A_310 = arith.mulf %get3A_308, %mul3A_309 : vector<16xf32>
      %add3A_311 = arith.constant 12 : i32
      %add3A_312 = arith.addi %mul3A_20, %add3A_311 : i32
      %swap3A_313 = arith.index_cast %add3A_312 : i32 to index
      %swap3A_314 = arith.constant 0 : index
      %swap3A_315 = tpu.vector_load %arg13[%swap3A_313, %swap3A_314] {strides = array<i32>} : memref<640x16xf32, #tpu.memory_space<vmem>>, vector<16xf32>,
      tpu.vector_store %arg13[%swap3A_313, %swap3A_314], %mul3A_310 {strides = array<i32>} : memref<640x16xf32, #tpu.memory_space<vmem>>, vector<16xf32>,
      %slice3A_316 = vector.extract_strided_slice %mul3A_59 {offsets = [13], sizes = [1], strides = [1]} : vector<16xf32> to vector<1xf32>
      %squeeze3A_317 = vector.extract %slice3A_316[0] : f32 from vector<1xf32>
      %broadcast_in_dim3A_318 = vector.broadcast %squeeze3A_317 : f32 to vector<16xf32>
      %add3A_319 = arith.constant 13 : i32
      %add3A_320 = arith.addi %mul3A_20, %add3A_319 : i32
      %swap3A_321 = arith.index_cast %add3A_320 : i32 to index
      %swap3A_322 = arith.constant 0 : index
      %swap3A_323 = tpu.vector_load %arg16[%swap3A_321, %swap3A_322] {strides = array<i32>} : memref<640x16xf32, #tpu.memory_space<vmem>>, vector<16xf32>,
      tpu.vector_store %arg16[%swap3A_321, %swap3A_322], %broadcast_in_dim3A_318 {strides = array<i32>} : memref<640x16xf32, #tpu.memory_space<vmem>>, vector<16xf32>,
      %add3A_324 = arith.constant 13 : i32
      %add3A_325 = arith.addi %mul3A_20, %add3A_324 : i32
      %get3A_326 = arith.index_cast %add3A_325 : i32 to index
      %get3A_327 = arith.constant 0 : index
      %get3A_328 = tpu.vector_load %arg13[%get3A_326, %get3A_327] {strides = array<i32>} : memref<640x16xf32, #tpu.memory_space<vmem>>, vector<16xf32>,
      %mul3A_329 = vector.broadcast %squeeze3A_317 : f32 to vector<16xf32>
      %mul3A_330 = arith.mulf %get3A_328, %mul3A_329 : vector<16xf32>
      %add3A_331 = arith.constant 13 : i32
      %add3A_332 = arith.addi %mul3A_20, %add3A_331 : i32
      %swap3A_333 = arith.index_cast %add3A_332 : i32 to index
      %swap3A_334 = arith.constant 0 : index
      %swap3A_335 = tpu.vector_load %arg13[%swap3A_333, %swap3A_334] {strides = array<i32>} : memref<640x16xf32, #tpu.memory_space<vmem>>, vector<16xf32>,
      tpu.vector_store %arg13[%swap3A_333, %swap3A_334], %mul3A_330 {strides = array<i32>} : memref<640x16xf32, #tpu.memory_space<vmem>>, vector<16xf32>,
      %slice3A_336 = vector.extract_strided_slice %mul3A_59 {offsets = [14], sizes = [1], strides = [1]} : vector<16xf32> to vector<1xf32>
      %squeeze3A_337 = vector.extract %slice3A_336[0] : f32 from vector<1xf32>
      %broadcast_in_dim3A_338 = vector.broadcast %squeeze3A_337 : f32 to vector<16xf32>
      %add3A_339 = arith.constant 14 : i32
      %add3A_340 = arith.addi %mul3A_20, %add3A_339 : i32
      %swap3A_341 = arith.index_cast %add3A_340 : i32 to index
      %swap3A_342 = arith.constant 0 : index
      %swap3A_343 = tpu.vector_load %arg16[%swap3A_341, %swap3A_342] {strides = array<i32>} : memref<640x16xf32, #tpu.memory_space<vmem>>, vector<16xf32>,
      tpu.vector_store %arg16[%swap3A_341, %swap3A_342], %broadcast_in_dim3A_338 {strides = array<i32>} : memref<640x16xf32, #tpu.memory_space<vmem>>, vector<16xf32>,
      %add3A_344 = arith.constant 14 : i32
      %add3A_345 = arith.addi %mul3A_20, %add3A_344 : i32
      %get3A_346 = arith.index_cast %add3A_345 : i32 to index
      %get3A_347 = arith.constant 0 : index
      %get3A_348 = tpu.vector_load %arg13[%get3A_346, %get3A_347] {strides = array<i32>} : memref<640x16xf32, #tpu.memory_space<vmem>>, vector<16xf32>,
      %mul3A_349 = vector.broadcast %squeeze3A_337 : f32 to vector<16xf32>
      %mul3A_350 = arith.mulf %get3A_348, %mul3A_349 : vector<16xf32>
      %add3A_351 = arith.constant 14 : i32
      %add3A_352 = arith.addi %mul3A_20, %add3A_351 : i32
      %swap3A_353 = arith.index_cast %add3A_352 : i32 to index
      %swap3A_354 = arith.constant 0 : index
      %swap3A_355 = tpu.vector_load %arg13[%swap3A_353, %swap3A_354] {strides = array<i32>} : memref<640x16xf32, #tpu.memory_space<vmem>>, vector<16xf32>,
      tpu.vector_store %arg13[%swap3A_353, %swap3A_354], %mul3A_350 {strides = array<i32>} : memref<640x16xf32, #tpu.memory_space<vmem>>, vector<16xf32>,
      %slice3A_356 = vector.extract_strided_slice %mul3A_59 {offsets = [15], sizes = [1], strides = [1]} : vector<16xf32> to vector<1xf32>
      %squeeze3A_357 = vector.extract %slice3A_356[0] : f32 from vector<1xf32>
      %broadcast_in_dim3A_358 = vector.broadcast %squeeze3A_357 : f32 to vector<16xf32>
      %add3A_359 = arith.constant 15 : i32
      %add3A_360 = arith.addi %mul3A_20, %add3A_359 : i32
      %swap3A_361 = arith.index_cast %add3A_360 : i32 to index
      %swap3A_362 = arith.constant 0 : index
      %swap3A_363 = tpu.vector_load %arg16[%swap3A_361, %swap3A_362] {strides = array<i32>} : memref<640x16xf32, #tpu.memory_space<vmem>>, vector<16xf32>,
      tpu.vector_store %arg16[%swap3A_361, %swap3A_362], %broadcast_in_dim3A_358 {strides = array<i32>} : memref<640x16xf32, #tpu.memory_space<vmem>>, vector<16xf32>,
      %add3A_364 = arith.constant 15 : i32
      %add3A_365 = arith.addi %mul3A_20, %add3A_364 : i32
      %get3A_366 = arith.index_cast %add3A_365 : i32 to index
      %get3A_367 = arith.constant 0 : index
      %get3A_368 = tpu.vector_load %arg13[%get3A_366, %get3A_367] {strides = array<i32>} : memref<640x16xf32, #tpu.memory_space<vmem>>, vector<16xf32>,
      %mul3A_369 = vector.broadcast %squeeze3A_357 : f32 to vector<16xf32>
      %mul3A_370 = arith.mulf %get3A_368, %mul3A_369 : vector<16xf32>
      %add3A_371 = arith.constant 15 : i32
      %add3A_372 = arith.addi %mul3A_20, %add3A_371 : i32
      %swap3A_373 = arith.index_cast %add3A_372 : i32 to index
      %swap3A_374 = arith.constant 0 : index
      %swap3A_375 = tpu.vector_load %arg13[%swap3A_373, %swap3A_374] {strides = array<i32>} : memref<640x16xf32, #tpu.memory_space<vmem>>, vector<16xf32>,
      tpu.vector_store %arg13[%swap3A_373, %swap3A_374], %mul3A_370 {strides = array<i32>} : memref<640x16xf32, #tpu.memory_space<vmem>>, vector<16xf32>,
    }
    %scan3A_8 = arith.constant 40 : i32
    "tpu.region"() ({
      %run_scoped3A_18 = tpu.sem_alloc : memref<!tpu.dma_semaphore, #tpu.memory_space<semaphore_mem>>
      %dma_start3A = arith.constant 0 : i32
      %dma_start3A_19 = arith.constant 0 : i32
      %dma_start3A_20 = tpu.memref_slice %arg13[%dma_start3A, %dma_start3A_19] : memref<640x16xf32, #tpu.memory_space<vmem>> -> memref<632x16xf32, #tpu.memory_space<vmem>>
      %dma_start3A_21 = arith.constant 0 : i32
      %dma_start3A_22 = tpu.memref_slice %arg18[%mul3A_2, %dma_start3A_21] : memref<10112x16xf32, #tpu.memory_space<vmem_shared>> -> memref<632x16xf32, #tpu.memory_space<vmem_shared>>
      %dma_start3A_23 = arith.constant 0 : i32
      %dma_start3A_24 = tpu.memref_slice %arg18[%mul3A_2, %dma_start3A_23] : memref<10112x16xf32, #tpu.memory_space<vmem_shared>> -> memref<632x16xf32, #tpu.memory_space<vmem_shared>>
      %dma_start3A_25 = arith.constant 0 : i32
      %dma_start3A_26 = arith.constant 0 : i32
      %dma_start3A_27 = tpu.memref_slice %arg13[%dma_start3A_25, %dma_start3A_26] : memref<640x16xf32, #tpu.memory_space<vmem>> -> memref<632x16xf32, #tpu.memory_space<vmem>>
      tpu.enqueue_dma source(%dma_start3A_27 : memref<632x16xf32, #tpu.memory_space<vmem>>) target(%dma_start3A_24 : memref<632x16xf32, #tpu.memory_space<vmem_shared>>) target_semaphore(%run_scoped3A_18 : memref<!tpu.dma_semaphore, #tpu.memory_space<semaphore_mem>>)
      %dma_wait3A = arith.constant 0 : i32
      %dma_wait3A_28 = arith.constant 0 : i32
      %dma_wait3A_29 = tpu.memref_slice %arg13[%dma_wait3A, %dma_wait3A_28] : memref<640x16xf32, #tpu.memory_space<vmem>> -> memref<632x16xf32, #tpu.memory_space<vmem>>
      %dma_wait3A_30 = arith.constant 0 : i32
      %dma_wait3A_31 = tpu.memref_slice %arg18[%mul3A_2, %dma_wait3A_30] : memref<10112x16xf32, #tpu.memory_space<vmem_shared>> -> memref<632x16xf32, #tpu.memory_space<vmem_shared>>
      %dma_wait3A_32 = arith.constant 0 : i32
      %dma_wait3A_33 = tpu.memref_slice %arg18[%mul3A_2, %dma_wait3A_32] : memref<10112x16xf32, #tpu.memory_space<vmem_shared>> -> memref<632x16xf32, #tpu.memory_space<vmem_shared>>
      %dma_wait3A_34 = arith.constant 0 : i32
      %dma_wait3A_35 = arith.constant 0 : i32
      %dma_wait3A_36 = tpu.memref_slice %arg13[%dma_wait3A_34, %dma_wait3A_35] : memref<640x16xf32, #tpu.memory_space<vmem>> -> memref<632x16xf32, #tpu.memory_space<vmem>>
      tpu.wait_dma2 semaphore(%run_scoped3A_18 : memref<!tpu.dma_semaphore, #tpu.memory_space<semaphore_mem>>) src(%dma_wait3A_36 : memref<632x16xf32, #tpu.memory_space<vmem>>) dst(%dma_wait3A_33 : memref<632x16xf32, #tpu.memory_space<vmem_shared>>)
      tpu.yield
    }) : () -> ()
    %eq3A = arith.constant 0 : i32
    %eq3A_9 = arith.cmpi eq, %arg0, %eq3A : i32
    %convert_element_type3A = arith.extui %eq3A_9 : i1 to i32
    %cond3A = arith.constant 0 : i32
    %cond3A_10 = arith.cmpi ne, %convert_element_type3A, %cond3A : i32
    scf.if %cond3A_10 {
      "tpu.region"() ({
        %run_scoped3A_18 = tpu.sem_alloc : memref<!tpu.dma_semaphore, #tpu.memory_space<semaphore_mem>>
        %dma_start3A = arith.constant 0 : i32
        %dma_start3A_19 = arith.constant 0 : i32
        %dma_start3A_20 = tpu.memref_slice %arg13[%dma_start3A, %dma_start3A_19] : memref<640x16xf32, #tpu.memory_space<vmem>> -> memref<632x16xf32, #tpu.memory_space<vmem>>
        %dma_start3A_21 = arith.constant 0 : i32
        %dma_start3A_22 = tpu.memref_slice %arg8[%mul3A_2, %dma_start3A_21] : memref<10112x16xf32, #tpu.memory_space<hbm>> -> memref<632x16xf32, #tpu.memory_space<hbm>>
        %dma_start3A_23 = arith.constant 0 : i32
        %dma_start3A_24 = tpu.memref_slice %arg8[%mul3A_2, %dma_start3A_23] : memref<10112x16xf32, #tpu.memory_space<hbm>> -> memref<632x16xf32, #tpu.memory_space<hbm>>
        %dma_start3A_25 = arith.constant 0 : i32
        %dma_start3A_26 = arith.constant 0 : i32
        %dma_start3A_27 = tpu.memref_slice %arg13[%dma_start3A_25, %dma_start3A_26] : memref<640x16xf32, #tpu.memory_space<vmem>> -> memref<632x16xf32, #tpu.memory_space<vmem>>
        tpu.enqueue_dma source(%dma_start3A_27 : memref<632x16xf32, #tpu.memory_space<vmem>>) target(%dma_start3A_24 : memref<632x16xf32, #tpu.memory_space<hbm>>) target_semaphore(%run_scoped3A_18 : memref<!tpu.dma_semaphore, #tpu.memory_space<semaphore_mem>>)
        %dma_wait3A = arith.constant 0 : i32
        %dma_wait3A_28 = arith.constant 0 : i32
        %dma_wait3A_29 = tpu.memref_slice %arg13[%dma_wait3A, %dma_wait3A_28] : memref<640x16xf32, #tpu.memory_space<vmem>> -> memref<632x16xf32, #tpu.memory_space<vmem>>
        %dma_wait3A_30 = arith.constant 0 : i32
        %dma_wait3A_31 = tpu.memref_slice %arg8[%mul3A_2, %dma_wait3A_30] : memref<10112x16xf32, #tpu.memory_space<hbm>> -> memref<632x16xf32, #tpu.memory_space<hbm>>
        %dma_wait3A_32 = arith.constant 0 : i32
        %dma_wait3A_33 = tpu.memref_slice %arg8[%mul3A_2, %dma_wait3A_32] : memref<10112x16xf32, #tpu.memory_space<hbm>> -> memref<632x16xf32, #tpu.memory_space<hbm>>
        %dma_wait3A_34 = arith.constant 0 : i32
        %dma_wait3A_35 = arith.constant 0 : i32
        %dma_wait3A_36 = tpu.memref_slice %arg13[%dma_wait3A_34, %dma_wait3A_35] : memref<640x16xf32, #tpu.memory_space<vmem>> -> memref<632x16xf32, #tpu.memory_space<vmem>>
        tpu.wait_dma2 semaphore(%run_scoped3A_18 : memref<!tpu.dma_semaphore, #tpu.memory_space<semaphore_mem>>) src(%dma_wait3A_36 : memref<632x16xf32, #tpu.memory_space<vmem>>) dst(%dma_wait3A_33 : memref<632x16xf32, #tpu.memory_space<hbm>>)
        tpu.yield
      }) : () -> ()
      "tpu.region"() ({
        %run_scoped3A_18 = tpu.sem_alloc : memref<!tpu.dma_semaphore, #tpu.memory_space<semaphore_mem>>
        %dma_start3A = arith.constant 0 : i32
        %dma_start3A_19 = arith.constant 0 : i32
        %dma_start3A_20 = tpu.memref_slice %arg16[%dma_start3A, %dma_start3A_19] : memref<640x16xf32, #tpu.memory_space<vmem>> -> memref<632x16xf32, #tpu.memory_space<vmem>>
        %dma_start3A_21 = arith.constant 0 : i32
        %dma_start3A_22 = tpu.memref_slice %arg9[%mul3A_2, %dma_start3A_21] : memref<10112x16xf32, #tpu.memory_space<hbm>> -> memref<632x16xf32, #tpu.memory_space<hbm>>
        %dma_start3A_23 = arith.constant 0 : i32
        %dma_start3A_24 = tpu.memref_slice %arg9[%mul3A_2, %dma_start3A_23] : memref<10112x16xf32, #tpu.memory_space<hbm>> -> memref<632x16xf32, #tpu.memory_space<hbm>>
        %dma_start3A_25 = arith.constant 0 : i32
        %dma_start3A_26 = arith.constant 0 : i32
        %dma_start3A_27 = tpu.memref_slice %arg16[%dma_start3A_25, %dma_start3A_26] : memref<640x16xf32, #tpu.memory_space<vmem>> -> memref<632x16xf32, #tpu.memory_space<vmem>>
        tpu.enqueue_dma source(%dma_start3A_27 : memref<632x16xf32, #tpu.memory_space<vmem>>) target(%dma_start3A_24 : memref<632x16xf32, #tpu.memory_space<hbm>>) target_semaphore(%run_scoped3A_18 : memref<!tpu.dma_semaphore, #tpu.memory_space<semaphore_mem>>)
        %dma_wait3A = arith.constant 0 : i32
        %dma_wait3A_28 = arith.constant 0 : i32
        %dma_wait3A_29 = tpu.memref_slice %arg16[%dma_wait3A, %dma_wait3A_28] : memref<640x16xf32, #tpu.memory_space<vmem>> -> memref<632x16xf32, #tpu.memory_space<vmem>>
        %dma_wait3A_30 = arith.constant 0 : i32
        %dma_wait3A_31 = tpu.memref_slice %arg9[%mul3A_2, %dma_wait3A_30] : memref<10112x16xf32, #tpu.memory_space<hbm>> -> memref<632x16xf32, #tpu.memory_space<hbm>>
        %dma_wait3A_32 = arith.constant 0 : i32
        %dma_wait3A_33 = tpu.memref_slice %arg9[%mul3A_2, %dma_wait3A_32] : memref<10112x16xf32, #tpu.memory_space<hbm>> -> memref<632x16xf32, #tpu.memory_space<hbm>>
        %dma_wait3A_34 = arith.constant 0 : i32
        %dma_wait3A_35 = arith.constant 0 : i32
        %dma_wait3A_36 = tpu.memref_slice %arg16[%dma_wait3A_34, %dma_wait3A_35] : memref<640x16xf32, #tpu.memory_space<vmem>> -> memref<632x16xf32, #tpu.memory_space<vmem>>
        tpu.wait_dma2 semaphore(%run_scoped3A_18 : memref<!tpu.dma_semaphore, #tpu.memory_space<semaphore_mem>>) src(%dma_wait3A_36 : memref<632x16xf32, #tpu.memory_space<vmem>>) dst(%dma_wait3A_33 : memref<632x16xf32, #tpu.memory_space<hbm>>)
        tpu.yield
      }) : () -> ()
    } else {
    }
    %barrier3A = arith.constant 0 : index
    tpu.barrier barrier_id(%barrier3A)
    %scan3A_11 = arith.constant 0 : i32
    %scan3A_12 = arith.constant 0 : i32
    %scan3A_13 = arith.constant 5 : i32
    %scan3A_14 = arith.addi %scan3A_12, %scan3A_13 : i32
    %scan3A_15 = arith.constant 1 : i32
    scf.for %scan3A_18 = %scan3A_12 to %scan3A_14 step %scan3A_15  : i32 {
      %dma_start3A = arith.constant 0 : i32
      %dma_start3A_19 = tpu.memref_slice %arg10[%scan3A_18, %dma_start3A] : memref<5x2048xi32, #tpu.memory_space<vmem>> -> memref<1x2048xi32, #tpu.memory_space<vmem>>
      %dma_start3A_20 = tpu.memref_squeeze %dma_start3A_19 : memref<1x2048xi32, #tpu.memory_space<vmem>> -> memref<2048xi32, #tpu.memory_space<vmem>>
      %dma_start3A_21 = arith.constant 0 : i32
      %dma_start3A_22 = arith.constant 0 : i32
      %dma_start3A_23 = tpu.memref_slice %arg18[%dma_start3A_21, %dma_start3A_22] : memref<10112x16xf32, #tpu.memory_space<vmem_shared>> -> memref<10112x16xf32, #tpu.memory_space<vmem_shared>>
      tpu.enqueue_indirect_dma source(%dma_start3A_23 : memref<10112x16xf32, #tpu.memory_space<vmem_shared>>) target(%arg12 : memref<2048x16xf32, #tpu.memory_space<vmem>>) offsets(%dma_start3A_20 : memref<2048xi32, #tpu.memory_space<vmem>>) semaphore(%arg19 : memref<!tpu.dma_semaphore, #tpu.memory_space<semaphore_mem>>)
      %dma_wait3A = arith.constant 0 : i32
      %dma_wait3A_24 = tpu.memref_slice %arg10[%scan3A_18, %dma_wait3A] : memref<5x2048xi32, #tpu.memory_space<vmem>> -> memref<1x2048xi32, #tpu.memory_space<vmem>>
      %dma_wait3A_25 = tpu.memref_squeeze %dma_wait3A_24 : memref<1x2048xi32, #tpu.memory_space<vmem>> -> memref<2048xi32, #tpu.memory_space<vmem>>
      %dma_wait3A_26 = arith.constant 0 : i32
      %dma_wait3A_27 = arith.constant 0 : i32
      %dma_wait3A_28 = tpu.memref_slice %arg18[%dma_wait3A_26, %dma_wait3A_27] : memref<10112x16xf32, #tpu.memory_space<vmem_shared>> -> memref<10112x16xf32, #tpu.memory_space<vmem_shared>>
      tpu.wait_indirect_dma semaphore(%arg19 : memref<!tpu.dma_semaphore, #tpu.memory_space<semaphore_mem>>) src(%dma_wait3A_28 : memref<10112x16xf32, #tpu.memory_space<vmem_shared>>) dst(%arg12 : memref<2048x16xf32, #tpu.memory_space<vmem>>)
      "tpu.region"() ({
        %run_scoped3A_29 = tpu.sem_alloc : memref<!tpu.dma_semaphore, #tpu.memory_space<semaphore_mem>>
        %dma_start3A_30 = arith.constant 0 : i32
        %dma_start3A_31 = tpu.memref_slice %arg11[%scan3A_18, %dma_start3A_30] : memref<5x2048xi32, #tpu.memory_space<vmem>> -> memref<1x2048xi32, #tpu.memory_space<vmem>>
        %dma_start3A_32 = tpu.memref_squeeze %dma_start3A_31 : memref<1x2048xi32, #tpu.memory_space<vmem>> -> memref<2048xi32, #tpu.memory_space<vmem>>
        %dma_start3A_33 = arith.constant 0 : i32
        %dma_start3A_34 = arith.constant 0 : i32
        %dma_start3A_35 = tpu.memref_slice %arg17[%dma_start3A_33, %dma_start3A_34] : memref<10112x16xf32, #tpu.memory_space<vmem_shared>> -> memref<10112x16xf32, #tpu.memory_space<vmem_shared>>
        tpu.enqueue_indirect_dma source(%arg12 : memref<2048x16xf32, #tpu.memory_space<vmem>>) target(%dma_start3A_35 : memref<10112x16xf32, #tpu.memory_space<vmem_shared>>) offsets(%dma_start3A_32 : memref<2048xi32, #tpu.memory_space<vmem>>) semaphore(%run_scoped3A_29 : memref<!tpu.dma_semaphore, #tpu.memory_space<semaphore_mem>>) {add = true}
        %dma_wait3A_36 = arith.constant 0 : i32
        %dma_wait3A_37 = tpu.memref_slice %arg11[%scan3A_18, %dma_wait3A_36] : memref<5x2048xi32, #tpu.memory_space<vmem>> -> memref<1x2048xi32, #tpu.memory_space<vmem>>
        %dma_wait3A_38 = tpu.memref_squeeze %dma_wait3A_37 : memref<1x2048xi32, #tpu.memory_space<vmem>> -> memref<2048xi32, #tpu.memory_space<vmem>>
        %dma_wait3A_39 = arith.constant 0 : i32
        %dma_wait3A_40 = arith.constant 0 : i32
        %dma_wait3A_41 = tpu.memref_slice %arg17[%dma_wait3A_39, %dma_wait3A_40] : memref<10112x16xf32, #tpu.memory_space<vmem_shared>> -> memref<10112x16xf32, #tpu.memory_space<vmem_shared>>
        tpu.wait_indirect_dma semaphore(%run_scoped3A_29 : memref<!tpu.dma_semaphore, #tpu.memory_space<semaphore_mem>>) src(%arg12 : memref<2048x16xf32, #tpu.memory_space<vmem>>) dst(%dma_wait3A_41 : memref<10112x16xf32, #tpu.memory_space<vmem_shared>>)
        tpu.yield
      }) : () -> ()
    }
    %scan3A_16 = arith.constant 5 : i32
    %barrier3A_17 = arith.constant 0 : index
    tpu.barrier barrier_id(%barrier3A_17)
    "tpu.region"() ({
      %run_scoped3A_18 = tpu.sem_alloc : memref<!tpu.dma_semaphore, #tpu.memory_space<semaphore_mem>>
      %dma_start3A = arith.constant 0 : i32
      %dma_start3A_19 = tpu.memref_slice %arg7[%arg0, %mul3A_2, %dma_start3A] : memref<2x10112x16xf32, #tpu.memory_space<hbm>> -> memref<1x632x16xf32, #tpu.memory_space<hbm>>
      %dma_start3A_20 = tpu.memref_squeeze %dma_start3A_19 : memref<1x632x16xf32, #tpu.memory_space<hbm>> -> memref<632x16xf32, #tpu.memory_space<hbm>>
      %dma_start3A_21 = arith.constant 0 : i32
      %dma_start3A_22 = tpu.memref_slice %arg17[%mul3A_2, %dma_start3A_21] : memref<10112x16xf32, #tpu.memory_space<vmem_shared>> -> memref<632x16xf32, #tpu.memory_space<vmem_shared>>
      tpu.enqueue_dma source(%dma_start3A_22 : memref<632x16xf32, #tpu.memory_space<vmem_shared>>) target(%dma_start3A_20 : memref<632x16xf32, #tpu.memory_space<hbm>>) target_semaphore(%run_scoped3A_18 : memref<!tpu.dma_semaphore, #tpu.memory_space<semaphore_mem>>)
      %dma_wait3A = arith.constant 0 : i32
      %dma_wait3A_23 = tpu.memref_slice %arg7[%arg0, %mul3A_2, %dma_wait3A] : memref<2x10112x16xf32, #tpu.memory_space<hbm>> -> memref<1x632x16xf32, #tpu.memory_space<hbm>>
      %dma_wait3A_24 = tpu.memref_squeeze %dma_wait3A_23 : memref<1x632x16xf32, #tpu.memory_space<hbm>> -> memref<632x16xf32, #tpu.memory_space<hbm>>
      %dma_wait3A_25 = arith.constant 0 : i32
      %dma_wait3A_26 = tpu.memref_slice %arg17[%mul3A_2, %dma_wait3A_25] : memref<10112x16xf32, #tpu.memory_space<vmem_shared>> -> memref<632x16xf32, #tpu.memory_space<vmem_shared>>
      tpu.wait_dma2 semaphore(%run_scoped3A_18 : memref<!tpu.dma_semaphore, #tpu.memory_space<semaphore_mem>>) src(%dma_wait3A_26 : memref<632x16xf32, #tpu.memory_space<vmem_shared>>) dst(%dma_wait3A_24 : memref<632x16xf32, #tpu.memory_space<hbm>>)
      tpu.yield
    }) : () -> ()
    return
  }
}

module attributes {stable_mosaic.version = 14 : i64} {
  func.func @_tc_mm_body(%arg0: memref<10000x128xf32, #tpu.memory_space<vmem>>, %arg1: memref<128x16xf32, #tpu.memory_space<vmem>>, %arg2: memref<10112x16xf32, #tpu.memory_space<vmem>>) attributes {dimension_semantics = [], scalar_prefetch = 0 : i64, scratch_operands = 0 : i64, tpu.core_type = #tpu.core_type<tc>} {
    %get3A = arith.constant 0 : index
    %get3A_0 = arith.constant 0 : index
    %get3A_1 = vector.load %arg0[%get3A, %get3A_0] : memref<10000x128xf32, #tpu.memory_space<vmem>>, vector<10000x128xf32>
    %get3A_2 = arith.constant 0 : index
    %get3A_3 = arith.constant 0 : index
    %get3A_4 = vector.load %arg1[%get3A_2, %get3A_3] : memref<128x16xf32, #tpu.memory_space<vmem>>, vector<128x16xf32>
    %dot_general3A = arith.constant dense<0.000000e+00> : vector<10000x16xf32>
    %dot_general3A_5 = tpu.matmul %get3A_1, %get3A_4, %dot_general3A {dimension_numbers = #tpu.dot_dimension_numbers<[1], [0], [0], [1], [0, 0, 1, 1], [], []>, transpose_lhs_hint = false} : vector<10000x128xf32>, vector<128x16xf32>, vector<10000x16xf32> -> vector<10000x16xf32>
    %swap3A = arith.constant 0 : index
    %swap3A_6 = arith.constant 0 : index
    %swap3A_7 = vector.load %arg2[%swap3A, %swap3A_6] : memref<10112x16xf32, #tpu.memory_space<vmem>>, vector<10000x16xf32>
    tpu.vector_store %arg2[%swap3A, %swap3A_6], %dot_general3A_5 {strides = array<i32>} : memref<10112x16xf32, #tpu.memory_space<vmem>>, vector<10000x16xf32>,
    %broadcast_in_dim3A = arith.constant 0.000000e+00 : f32
    %broadcast_in_dim3A_8 = vector.broadcast %broadcast_in_dim3A : f32 to vector<112x16xf32>
    %swap3A_9 = arith.constant 10000 : index
    %swap3A_10 = arith.constant 0 : index
    %swap3A_11 = vector.load %arg2[%swap3A_9, %swap3A_10] : memref<10112x16xf32, #tpu.memory_space<vmem>>, vector<112x16xf32>
    tpu.vector_store %arg2[%swap3A_9, %swap3A_10], %broadcast_in_dim3A_8 {strides = array<i32>} : memref<10112x16xf32, #tpu.memory_space<vmem>>, vector<112x16xf32>,
    return
  }
}

module attributes {stable_mosaic.version = 14 : i64} {
  func.func @_tc3_body(%arg0: memref<2x10112x16xf32, #tpu.memory_space<vmem>>, %arg1: memref<10112x16xf32, #tpu.memory_space<vmem>>, %arg2: memref<10112x16xf32, #tpu.memory_space<vmem>>, %arg3: memref<16x2xf32, #tpu.memory_space<vmem>>, %arg4: memref<2xf32, #tpu.memory_space<vmem>>, %arg5: memref<10000x2xf32, #tpu.memory_space<vmem>>) attributes {dimension_semantics = [], scalar_prefetch = 0 : i64, scratch_operands = 0 : i64, tpu.core_type = #tpu.core_type<tc>} {
    %get3A = arith.constant 0 : index
    %get3A_0 = arith.constant 0 : index
    %get3A_1 = arith.constant 0 : index
    %get3A_2 = vector.load %arg0[%get3A, %get3A_0, %get3A_1] : memref<2x10112x16xf32, #tpu.memory_space<vmem>>, vector<1x10000x16xf32>
    %get3A_3 = vector.shape_cast %get3A_2 : vector<1x10000x16xf32> to vector<10000x16xf32>
    %get3A_4 = arith.constant 1 : index
    %get3A_5 = arith.constant 0 : index
    %get3A_6 = arith.constant 0 : index
    %get3A_7 = vector.load %arg0[%get3A_4, %get3A_5, %get3A_6] : memref<2x10112x16xf32, #tpu.memory_space<vmem>>, vector<1x10000x16xf32>
    %get3A_8 = vector.shape_cast %get3A_7 : vector<1x10000x16xf32> to vector<10000x16xf32>
    %add3A = arith.addf %get3A_3, %get3A_8 : vector<10000x16xf32>
    %get3A_9 = arith.constant 0 : index
    %get3A_10 = arith.constant 0 : index
    %get3A_11 = vector.load %arg1[%get3A_9, %get3A_10] : memref<10112x16xf32, #tpu.memory_space<vmem>>, vector<10000x16xf32>
    %add3A_12 = arith.addf %add3A, %get3A_11 : vector<10000x16xf32>
    %get3A_13 = arith.constant 0 : index
    %get3A_14 = arith.constant 0 : index
    %get3A_15 = vector.load %arg2[%get3A_13, %get3A_14] : memref<10112x16xf32, #tpu.memory_space<vmem>>, vector<10000x16xf32>
    %mul3A = arith.mulf %get3A_15, %add3A_12 : vector<10000x16xf32>
    %get3A_16 = arith.constant 0 : index
    %get3A_17 = arith.constant 0 : index
    %get3A_18 = vector.load %arg3[%get3A_16, %get3A_17] : memref<16x2xf32, #tpu.memory_space<vmem>>, vector<16x2xf32>
    %dot_general3A = arith.constant dense<0.000000e+00> : vector<10000x2xf32>
    %dot_general3A_19 = tpu.matmul %mul3A, %get3A_18, %dot_general3A {dimension_numbers = #tpu.dot_dimension_numbers<[1], [0], [0], [1], [0, 0, 1, 1], [], []>, transpose_lhs_hint = false} : vector<10000x16xf32>, vector<16x2xf32>, vector<10000x2xf32> -> vector<10000x2xf32>
    %get3A_20 = arith.constant 0 : index
    %get3A_21 = vector.load %arg4[%get3A_20] : memref<2xf32, #tpu.memory_space<vmem>>, vector<2xf32>
    %broadcast_in_dim3A = vector.shape_cast %get3A_21 : vector<2xf32> to vector<1x2xf32>
    %add3A_22 = vector.broadcast %broadcast_in_dim3A : vector<1x2xf32> to vector<10000x2xf32>
    %add3A_23 = arith.addf %dot_general3A_19, %add3A_22 : vector<10000x2xf32>
    %reduce_max3A = arith.constant dense<0xFF800000> : vector<10000xf32>
    %reduce_max3A_24 = vector.multi_reduction <maximumf>, %add3A_23, %reduce_max3A [1] : vector<10000x2xf32> to vector<10000xf32>
    %broadcast_in_dim3A_25 = vector.shape_cast %reduce_max3A_24 : vector<10000xf32> to vector<10000x1xf32>
    %sub3A = vector.broadcast %broadcast_in_dim3A_25 : vector<10000x1xf32> to vector<10000x2xf32>
    %sub3A_26 = arith.subf %add3A_23, %sub3A : vector<10000x2xf32>
    %exp3A = math.exp %sub3A_26 : vector<10000x2xf32>
    %reduce_sum3A = arith.constant dense<0.000000e+00> : vector<10000xf32>
    %reduce_sum3A_27 = vector.multi_reduction <add>, %exp3A, %reduce_sum3A [1] : vector<10000x2xf32> to vector<10000xf32>
    %broadcast_in_dim3A_28 = vector.shape_cast %reduce_sum3A_27 : vector<10000xf32> to vector<10000x1xf32>
    %log3A = math.log %broadcast_in_dim3A_28 : vector<10000x1xf32>
    %add3A_29 = arith.addf %broadcast_in_dim3A_25, %log3A : vector<10000x1xf32>
    %sub3A_30 = vector.broadcast %add3A_29 : vector<10000x1xf32> to vector<10000x2xf32>
    %sub3A_31 = arith.subf %add3A_23, %sub3A_30 : vector<10000x2xf32>
    %swap3A = arith.constant 0 : index
    %swap3A_32 = arith.constant 0 : index
    %swap3A_33 = vector.load %arg5[%swap3A, %swap3A_32] : memref<10000x2xf32, #tpu.memory_space<vmem>>, vector<10000x2xf32>
    tpu.vector_store %arg5[%swap3A, %swap3A_32], %sub3A_31 {strides = array<i32>} : memref<10000x2xf32, #tpu.memory_space<vmem>>, vector<10000x2xf32>,
    return
  }
}

</mosaic_0001>

<sc_bundles>
// kernel: kernel.10.cloned.1.call-start
scs
__scs_entry_jumppad:
0x0: {  	(pc) =	sbr.rel $0x88, $3  }
0x1: {  	(tag) =	ssettag $0x0;
	lr =	simm.s32 $0x1  }
0x2: {  	[smem:$0x3F9B] =	sst lr;
	_ =	strace $0xD0000000  }
0x3: {  	_ = 	snop  }
0x4: {  	_ = 	snop  }
0x5: {  	_ = 	snop  }
0x6: {  	_ = 	snop  }
0x7: {  	_ = 	snop  }
__scs_overlays_trampoline_lowered:
0x8: {  	[smem:$0x3FAA] =	sst s0  }
0x9: {  	[smem:$0x3FAB] =	sst s1  }
0xa: {  	[smem:$0x3FAC] =	sst s2  }
0xb: {  	[smem:$0x3FAD] =	sst s3  }
0xc: {  	[smem:$0x3FAE] =	sst s4  }
0xd: {  	[smem:$0x3FAF] =	sst s5  }
0xe: {  	[smem:$0x3FB0] =	sst s6  }
0xf: {  	[smem:$0x3FB1] =	sst s7  }
0x10: {  	[smem:$0x3FB2] =	sst s8  }
0x11: {  	[smem:$0x3FB3] =	sst s9;
	s0 =	simm.s32 @!p0 $0x0  }
0x12: {  	s1 =	sld [smem:$0x3F99];
	s0 =	simm.s32 @p0 $0x1  }
0x13: {  	[smem:$0x3FB4] =	sst s0;
	s0 =	simm.s32 @!p1 $0x0  }
0x14: {  	s2 =	sld [smem:$0x3F98];
	s0 =	simm.s32 @p1 $0x1  }
0x15: {  	[smem:$0x3FB5] =	sst s0;
	s0 =	simm.s32 @!p2 $0x0  }
0x16: {  	s3 =	sld [smem:$0x3FDB];
	s0 =	simm.s32 @p2 $0x1  }
0x17: {  	s4 =	simm.s32 $0x1BF5;
	[smem:$0x3FB7] =	sst s0  }
0x18: {  	s0 =	sld [smem:$0x3F9A];
	_ =	swait.ge [sflag:s4], $0x0  }
0x19: {  	s7 =	sld [smem:$0x3F9B]  }
0x1a: {  	s8 =	sadd.s32 $0xFFFFE003, lr  }
0x1b: {  	s9 =	sadd.s32 $0xFFFFFEF7, lr;
	s5 =	simm.s32 $0xFFFFFFFF;
	p2 =	slt.u32 s8, $0xFFFFF086  }
0x1c: {  	p1 =	slt.u32 s9, $0xF7A;
	s5 =	simm.s32 @!p2 $0x0  }
0x1d: {  	s5 =	simm.s32 @p1 $0x1;
	p0 =	seq.s32 s7, s2  }
0x1e: {  	s7 =	smul.u32 @!p0 $0xF7A, s2;
	p2 =	seq.s32 @!p0 s5, $0x0  }
0x1f: {  	s9 =	smul.u32 $0xF7A, s1;
	s8 =	simm.s32 @!p0 $0x1BF5;
	p2 =	por !p2, p0  }
0x20: {  	[sflag:s8] =	ssyncset.s32 @!p0 $0xFFFFF086;
	s6 =	sadd.s32 @!p0 s3, s7;
	s7 =	simm.s32 @!p0 $0x108  }
0x21: {  	s3 =	sadd.s32 s3, s9;
	s6 =	sadd.s32 @!p0 $0x88, s6;
	s7 =	simm.s32 @p2 $0x1082  }
0x22: {  	[simem:s7], [sflag:s8] =	dma.local @!p0 [hbm:s6], $0xF7A  }
0x23: {  	s9 =	sor.u32 $0xD0000000, s2;
	s6 =	simm.s32 $0x108;
	_ =	swait.ge @!p0 [sflag:s8], $0x0  }
0x24: {  	s3 =	sadd.s32 $0x88, s3;
	s6 =	simm.s32 @!p1 $0x1082;
	[sflag:s4] =	ssyncset.s32 $0xFFFFF086  }
0x25: {  	[simem:s6], [sflag:s4] =	dma.local [hbm:s3], $0xF7A  }
0x26: {  	[smem:$0x3F9B] =	sst s1;
	(tag) =	ssettag s2;
	_ =	strace s9  }
0x27: {  	s1 =	sld [smem:$0x3FAB]  }
0x28: {  	s2 =	sld [smem:$0x3FAC]  }
0x29: {  	s4 =	sld [smem:$0x3FAE]  }
0x2a: {  	p0 =	seq.s32 s5, $0x0;
	s5 =	sld [smem:$0x3FAF]  }
0x2b: {  	s6 =	sld [smem:$0x3FB0]  }
0x2c: {  	s7 =	sld [smem:$0x3FB1]  }
0x2d: {  	s3 =	simm.s32 $0x108;
	s8 =	sld [smem:$0x3FB2]  }
0x2e: {  	s3 =	simm.s32 @!p0 $0x1082;
	s9 =	sld [smem:$0x3FB3]  }
0x2f: {  	lr =	sadd.s32 s0, s3;
	s0 =	sld [smem:$0x3FAA]  }
0x30: {  	s3 =	sld [smem:$0x3FAD]  }
0x31: {  	[smem:$0x3FB6] =	sst s10  }
0x32: {  	s10 =	sld [smem:$0x3FB4];
	_ =	sdelay $0x3  }
0x33: {  	p0 =	seq.s32 s10, $0x1;
	s10 =	sld [smem:$0x3FB6];
	_ =	sdelay $0x3  }
0x34: {  	[smem:$0x3FB6] =	sst s10  }
0x35: {  	s10 =	sld [smem:$0x3FB5];
	_ =	sdelay $0x3  }
0x36: {  	p1 =	seq.s32 s10, $0x1;
	s10 =	sld [smem:$0x3FB6];
	_ =	sdelay $0x3  }
0x37: {  	[smem:$0x3FB6] =	sst s10  }
0x38: {  	s10 =	sld [smem:$0x3FB7]  }
0x39: {  	_ = 	snop;
	(pc) =	sbr.ind lr, $3  }
0x3a: {  	_ = 	snop  }
0x3b: {  	_ = 	snop  }
0x3c: {  	p2 =	seq.s32 s10, $0x1;
	s10 =	sld [smem:$0x3FB6]  }
0x3d: {  	_ =	shalt  }
0x3e: {  	_ =	shalt  }
0x3f: {  	_ =	shalt  }
0x40: {  	_ =	shalt  }
0x41: {  	_ =	shalt  }
0x42: {  	_ =	shalt  }
0x43: {  	_ =	shalt  }
0x44: {  	_ =	shalt  }
0x45: {  	_ =	shalt  }
0x46: {  	_ =	shalt  }
0x47: {  	_ =	shalt  }
0x48: {  	_ =	shalt  }
0x49: {  	_ =	shalt  }
0x4a: {  	_ =	shalt  }
0x4b: {  	_ =	shalt  }
0x4c: {  	_ =	shalt  }
0x4d: {  	_ =	shalt  }
0x4e: {  	_ =	shalt  }
0x4f: {  	_ =	shalt  }
0x50: {  	_ =	shalt  }
0x51: {  	_ =	shalt  }
0x52: {  	_ =	shalt  }
0x53: {  	_ =	shalt  }
0x54: {  	_ =	shalt  }
0x55: {  	_ =	shalt  }
0x56: {  	_ =	shalt  }
0x57: {  	_ =	shalt  }
0x58: {  	_ =	shalt  }
0x59: {  	_ =	shalt  }
0x5a: {  	_ =	shalt  }
0x5b: {  	_ =	shalt  }
0x5c: {  	_ =	shalt  }
0x5d: {  	_ =	shalt  }
0x5e: {  	_ =	shalt  }
0x5f: {  	_ =	shalt  }
0x60: {  	_ =	shalt  }
0x61: {  	_ =	shalt  }
0x62: {  	_ =	shalt  }
0x63: {  	_ =	shalt  }
0x64: {  	_ =	shalt  }
0x65: {  	_ =	shalt  }
0x66: {  	_ =	shalt  }
0x67: {  	_ =	shalt  }
0x68: {  	_ =	shalt  }
0x69: {  	_ =	shalt  }
0x6a: {  	_ =	shalt  }
0x6b: {  	_ =	shalt  }
0x6c: {  	_ =	shalt  }
0x6d: {  	_ =	shalt  }
0x6e: {  	_ =	shalt  }
0x6f: {  	_ =	shalt  }
0x70: {  	_ =	shalt  }
0x71: {  	_ =	shalt  }
0x72: {  	_ =	shalt  }
0x73: {  	_ =	shalt  }
0x74: {  	_ =	shalt  }
0x75: {  	_ =	shalt  }
0x76: {  	_ =	shalt  }
0x77: {  	_ =	shalt  }
0x78: {  	_ =	shalt  }
0x79: {  	_ =	shalt  }
0x7a: {  	_ =	shalt  }
0x7b: {  	_ =	shalt  }
0x7c: {  	_ =	shalt  }
0x7d: {  	_ =	shalt  }
0x7e: {  	_ =	shalt  }
0x7f: {  	_ =	shalt  }
0x80: {  	_ =	shalt  }
0x81: {  	_ =	shalt  }
0x82: {  	_ =	shalt  }
0x83: {  	_ =	shalt  }
0x84: {  	_ =	shalt  }
0x85: {  	_ =	shalt  }
0x86: {  	_ =	shalt  }
0x87: {  	_ =	shalt  }
.Lfunc_end0:
.L_simem_size_0:
called_computation.1_lowered:
.L_overlay_start_0:
0x88: {  	s2 =	sld [smem:$0x3FD9]  }
0x89: {  	s3 =	sld [smem:$0x3FFE];
	_ =	sdelay $0x1  }
0x8a: {  	s1 =	srdreg.scid  }
0x8b: {  	s0 =	sand.u32 $0x1, s1  }
0x8c: {  	s16 =	sshll.u32 s0, $0xA;
	s2 =	sadd.s32 s3, s2  }
0x8d: {  	s2 =	sadd.s32 s2, s16  }
0x8e: {  	[smem:$0x3FC2] =	sst s2  }
0x8f: {  	_ = 	snop  }
0x90: {  	(tm) =	ssettm $0x1  }
0x91: {  	s17 =	sld [smem:$0x3FFB];
	_ =	sdelay $0x3  }
0x92: {  	_ =	strace s17  }
0x93: {  	s2 =	sld [smem:$0x3FFC];
	_ =	sdelay $0x3  }
0x94: {  	_ =	strace s2  }
0x95: {  	s2 =	sld [smem:$0x3FFD];
	_ =	sdelay $0x3  }
0x96: {  	_ =	strace s2  }
0x97: {  	_ =	strace $0x8FFFFFFF  }
0x98: {  	s18 =	sld [smem:$0x3FDB];
	_ =	sdelay $0x1  }
0x99: {  	s19 =	simm.s32 $_scs_section_size  }
0x9a: {  	s4 =	simm.s32 $_size__tile_overlayer_lowered;
	s5 =	simm.s32 $_tile_overlayer_lowered  }
0x9b: {  	s22 =	simm.s32 $0x1BFF;
	s21 =	sshll.u32 s5, $0x1;
	s2 =	sadd.s32 s19, s18  }
0x9c: {  	s6 =	simm.s32 $0x0;
	s20 =	sshll.u32 s4, $0x1;
	s4 =	sadd.s32 s21, s2  }
0x9d: {  	[timem:s6], [sflag:s22] =	dma.local [hbm:s4], s20  }
0x9e: {  	_ =	swait.ge [sflag:s22], s20  }
0x9f: {  	s3 =	ssub.s32 $0x0, s20;
	[sflag:s22] =	ssyncset.done $0x0  }
0xa0: {  	[sflag:s22] =	ssyncadd.s32 s3;
	_ =	sdelay $0x1  }
0xa1: {  	s23 =	simm.s32 $0x1B8B  }
0xa2: {  	_ =	swait.ge [sflag:s23], $0x1  }
0xa3: {  	[sflag:s23] =	ssyncset.done $0x0  }
0xa4: {  	s25 =	simm.s32 $0x1B8E;
	s24 =	sld [smem:$0x3FFE];
	[sflag:s23] =	ssyncadd.s32 $0xFFFFFFFF  }
0xa5: {  	s26 =	simm.s32 $execute0_lowered;
	[smem:$0x3FD2] =	sst s25  }
0xa6: {  	s4 =	sshll.u32 s26, $0x1;
	_ =	strace $0x80000049;
	[dreg:$0x1] =	wrdreg $0xFFFFFFFF  }
0xa7: {  	s28 =	simm.s32 $_size_execute0_lowered;
	s2 =	sadd.s32 s2, s4;
	[dreg:$0x0] =	wrdreg $0x0  }
0xa8: {  	s4 =	sshll.u32 s28, $0x1;
	[dreg:$0x2] =	wrdreg s2  }
0xa9: {  	[dreg:$0x3] =	wrdreg s4  }
0xaa: {  	[dreg:$0x4] =	wrdreg $0xC0  }
0xab: {  	_ =	task [dreg:s6], $0x5FFFF  }
0xac: {  	[dreg:$0x1] =	wrdreg $0xFFFFFFFF  }
0xad: {  	[dreg:$0x0] =	wrdreg $0x60  }
0xae: {  	[dreg:$0x2] =	wrdreg s24  }
0xaf: {  	[dreg:$0x3] =	wrdreg $0x125000  }
0xb0: {  	[dreg:$0x4] =	wrdreg $0x14C800  }
0xb1: {  	[dreg:$0x5] =	wrdreg $0x9  }
0xb2: {  	_ =	task.clear_ibuf [dreg:s6], $0x6FFFF;
	_ =	strace $0x90000049  }
0xb3: {  	s29 =	simm.s32 $0x9;
	_ =	strace $0x8000004B  }
0xb4: {  	_ =	swait.ge [sflag:s29], $0x1  }
0xb5: {  	[sflag:s29] =	ssyncadd.s32 $0xFFFFFFFF  }
0xb6: {  	_ =	strace $0x9000004B  }
0xb7: {  	_ =	sfence  }
0xb8: {  	s30 =	sld [smem:$0x0];
	_ =	sdelay $0x2  }
0xb9: {  	s31 =	sshll.u32 s1, $0xD;
	s1 =	sshrl.u32 s1, $0x2  }
0xba: {  	s3 =	sand.u32 $0x4000, s31;
	s1 =	sadd.s32 s1, s30  }
0xbb: {  	s0 =	sor.u32 s3, s0;
	s1 =	sshll.u32 s1, $0x11  }
0xbc: {  	s0 =	sor.u32 s1, s0  }
0xbd: {  	s0 =	sadd.s32 $0x8F2B, s0  }
0xbe: {  	[sflag:s0] =	ssyncadd.remote.s32 $0x1  }
0xbf: {  	_ =	sfence.sel $0xFFFF  }
0xc0: {  	[dreg:$0x0] =	wrdreg $0xFFFFFFFF;
	(pc) =	sbr.abs _section_cstart, $3  }
0xc1: {  	[dreg:$0x1] =	wrdreg $0xFFFFFFFF  }
0xc2: {  	_ =	task.clear_ibuf [dreg:s6], $0x2FFFF;
	_ =	strace $0x9FFFFFFF  }
0xc3: {  	(tm) =	ssettm $0x7FFFFFFF  }
tec
execute0_lowered:
.L_overlay_start_1:
0x0: {  	(tag) =	ssettag $0x1  }
0x1: {  	s0 =	srdreg.scid;
	s1 =	rddreg [dreg:$0x0]  }
0x2: {  	s17 =	stileid.u32;
	s2 =	rddreg [dreg:$0x1];
	s16 =	simm.s32 $0x2  }
0x3: {  	s20 =	simm.s32 $0xD000;
	s23 =	simm.s32 $0x800;
	s24 =	simm.s32 $0x5000  }
0x4: {  	s30 =	simm.s32 $0x1800;
	s31 =	simm.s32 $0x4000;
	s5 =	smul.u32 $0x278, s17  }
0x5: {  	s21 =	simm.s32 $0x0;
	s0 =	sand.u32 $0x1, s0;
	s11 =	smul.u32 $0x2780, s17  }
0x6: {  	s29 =	sshll.u32 s17, $0x6;
	s3 =	sshll.u32 s0, $0x4;
	s7 =	smul.u32 $0x27800, s0  }
0x7: {  	s8 =	ssub.s32 $0x2, s0;
	s18 =	sor.u32 $0x1C02, s29;
	p0 =	sne.s32 s0, $0x0  }
0x8: {  	s0 =	simm.s32 $0x4800;
	s4 =	sor.u32 s17, s3;
	s3 =	rddreg [dreg:$0x2]  }
0x9: {  	s5 =	sshrl.u32 s5, $0x3;
	s26 =	sshrl.u32 s11, $0x3;
	s28 =	sshrl.u32 s8, $0x1  }
0xa: {  	s19 =	sadd.s32 s11, s2;
	s17 =	simm.s32 $0x2800;
	s6 =	smul.u32 $0x500, s4  }
0xb: {  	s4 =	simm.s32 $0x0;
	s10 =	sadd.s32 s5, s1;
	s25 =	sadd.s32 s11, s7  }
0xc: {  	s15 =	ssub.s32 s8, s28;
	s11 =	sadd.s32 s11, s3;
	s19 =	sshrl.u32 s19, $0x3  }
0xd: {  	[smem:$0x7FF] =	sst s4;
	s5 =	sshrl.u32 s25, $0x3;
	s9 =	sadd.s32 $0xC200, s10  }
0xe: {  	s10 =	sadd.s32 $0xC6F0, s10;
	s15 =	smax.u32 s15, $0x1;
	s25 =	simm.s32 $0x1  }
0xf: {  	_ =	strace $0x8000004A;
	s6 =	sadd.s32 s6, s1;
	s14 =	sadd.s32 s5, s1  }
0x10: {  	s1 =	sadd.s32 s26, s1;
	s5 =	sadd.s32 $0xCC00, s6;
	s6 =	sadd.s32 $0x1E00, s6  }
0x11: {  	s7 =	sadd.s32 $0x1BC00, s1;
	s8 =	sadd.s32 $0x16C00, s1;
	s12 =	sadd.s32 $0x2AA00, s1  }
0x12: {  	s13 =	sadd.s32 $0x2FA00, s1;
	s14 =	sadd.s32 $0x20C00, s14;
	s1 =	simm.s32 $0x2000  }
.LBB2_1:
0x13: {  	[tilespmem:s4], [sflag:$0x2] =	stream.linear.gather [hbm4b:s5+s4], $0x2800, $0x38;
	[tilespmem:$0x17400] =	vst v63  }
0x14: {  	_ =	swait.ge [sflag:s16], $0x2800  }
0x15: {  	[sflag:s16] =	ssyncset.done $0x0  }
0x16: {  	[sflag:s16] =	ssyncadd.s32 $0xFFFFD800  }
0x17: {  	[tilespmem:s17], [sflag:$0x2] =	stream.linear.gather [hbm4b:s6+s4], $0x2800, $0x38;
	[tilespmem:$0x17400] =	vst v63  }
0x18: {  	_ =	swait.ge [sflag:s16], $0x2800  }
0x19: {  	[sflag:s16] =	ssyncset.done $0x0  }
0x1a: {  	[sflag:s16] =	ssyncadd.s32 $0xFFFFD800  }
0x1b: {  	[spmem:s19], [sflag:s18] =	dma.local [hbm:s7], $0x4F0  }
0x1c: {  	_ =	swait.ge [sflag:s16], $0x4F0  }
0x1d: {  	[sflag:s16] =	ssyncset.done $0x0  }
0x1e: {  	[sflag:s16] =	ssyncadd.s32 $0xFFFFFB10  }
0x1f: {  	[tilespmem:s20], [sflag:$0x2] =	stream.linear.gather [hbm4b:s8+s4], $0x2780, $0x38;
	[tilespmem:$0x17400] =	vst v63  }
0x20: {  	_ =	swait.ge [sflag:s16], $0x2780  }
0x21: {  	[sflag:s16] =	ssyncset.done $0x0  }
0x22: {  	s22 =	simm.s32 $0xF800;
	[sflag:s16] =	ssyncadd.s32 $0xFFFFD880  }
0x23: {  	[tilespmem:s22], [sflag:$0x2] =	stream.linear.gather [hbm4b:s9+s4], $0x278, $0x38;
	[tilespmem:$0x17400] =	vst v63  }
0x24: {  	_ =	swait.ge [sflag:s16], $0x278  }
0x25: {  	[sflag:s16] =	ssyncset.done $0x0  }
0x26: {  	s26 =	simm.s32 $0xFA80;
	[sflag:s16] =	ssyncadd.s32 $0xFFFFFD88  }
0x27: {  	[tilespmem:s26], [sflag:$0x2] =	stream.linear.gather [hbm4b:s10+s4], $0x278, $0x38;
	[tilespmem:$0x17400] =	vst v63  }
0x28: {  	_ =	swait.ge [sflag:s16], $0x278  }
0x29: {  	[sflag:s16] =	ssyncset.done $0x0  }
0x2a: {  	s29 =	simm.s32 $0x0;
	[sflag:s16] =	ssyncadd.s32 $0xFFFFFD88  }
0x2b: {  	v0 =	vld [tilespmem:s29+$0xF800];
	_ =	sdelay $0x1  }
0x2c: {  	v1 =	vld [tilespmem:s29+$0xFA80];
	_ =	sdelay $0x2  }
0x2d: {  	v0 =	vadd.f32 $1.000000000e+00, v0;
	_ =	sdelay $0x1  }
0x2e: {  	v0 =	vadd.f32 v1, v0;
	_ =	sdelay $0x1  }
0x2f: {  	v1 =	vshrl.u32 v0, $0x1;
	v0 =	vmul.f32 $5.000000000e-01, v0  }
0x30: {  	v1 =	vsub.s32 $0x5F3759DF, v1  }
0x31: {  	v2 =	vmul.f32 v1, v0;
	_ =	sdelay $0x1  }
0x32: {  	v2 =	vmul.f32 v1, v2;
	_ =	sdelay $0x1  }
0x33: {  	v2 =	vsub.f32 $1.500000000e+00, v2;
	_ =	sdelay $0x1  }
0x34: {  	v1 =	vmul.f32 v1, v2;
	_ =	sdelay $0x1  }
0x35: {  	v2 =	vmul.f32 v1, v0;
	_ =	sdelay $0x1  }
0x36: {  	v2 =	vmul.f32 v2, v1;
	_ =	sdelay $0x1  }
0x37: {  	v2 =	vsub.f32 $1.500000000e+00, v2;
	_ =	sdelay $0x1  }
0x38: {  	v1 =	vmul.f32 v2, v1;
	_ =	sdelay $0x1  }
0x39: {  	v0 =	vmul.f32 v1, v0;
	_ =	sdelay $0x1  }
0x3a: {  	v0 =	vmul.f32 v0, v1;
	_ =	sdelay $0x1  }
0x3b: {  	v0 =	vsub.f32 $1.500000000e+00, v0;
	_ =	sdelay $0x1  }
0x3c: {  	v0 =	vmul.f32 v0, v1;
	_ =	sdelay $0x1  }
0x3d: {  	v1 =	vbroadcast v0, $0x0  }
0x3e: {  	s26 =	simm.s32 $0xFD80  }
0x3f: {  	s22 =	simm.s32 $0xD080;
	[tilespmem:s26+$0xFFFFFF80] =	vst v1  }
0x40: {  	v2 =	vld [tilespmem:s22+$0xFFFFFF80];
	_ =	sdelay $0x4  }
0x41: {  	v1 =	vmul.f32 v1, v2  }
0x42: {  	v2 =	vbroadcast v0, $0x1  }
0x43: {  	[tilespmem:s22+$0xFFFFFF80] =	vst v1  }
0x44: {  	[tilespmem:s26+$0xFFFFFF90] =	vst v2  }
0x45: {  	v1 =	vld [tilespmem:s22+$0xFFFFFF90];
	_ =	sdelay $0x4  }
0x46: {  	v1 =	vmul.f32 v2, v1  }
0x47: {  	v2 =	vbroadcast v0, $0x2  }
0x48: {  	[tilespmem:s22+$0xFFFFFF90] =	vst v1  }
0x49: {  	[tilespmem:s26+$0xFFFFFFA0] =	vst v2  }
0x4a: {  	v1 =	vld [tilespmem:s22+$0xFFFFFFA0];
	_ =	sdelay $0x4  }
0x4b: {  	v1 =	vmul.f32 v2, v1  }
0x4c: {  	v2 =	vbroadcast v0, $0x3  }
0x4d: {  	[tilespmem:s22+$0xFFFFFFA0] =	vst v1  }
0x4e: {  	[tilespmem:s26+$0xFFFFFFB0] =	vst v2  }
0x4f: {  	v1 =	vld [tilespmem:s22+$0xFFFFFFB0];
	_ =	sdelay $0x4  }
0x50: {  	v1 =	vmul.f32 v2, v1  }
0x51: {  	v2 =	vbroadcast v0, $0x4  }
0x52: {  	[tilespmem:s22+$0xFFFFFFB0] =	vst v1  }
0x53: {  	[tilespmem:s26+$0xFFFFFFC0] =	vst v2  }
0x54: {  	v1 =	vld [tilespmem:s22+$0xFFFFFFC0];
	_ =	sdelay $0x4  }
0x55: {  	v1 =	vmul.f32 v2, v1  }
0x56: {  	v2 =	vbroadcast v0, $0x5  }
0x57: {  	[tilespmem:s22+$0xFFFFFFC0] =	vst v1  }
0x58: {  	[tilespmem:s26+$0xFFFFFFD0] =	vst v2  }
0x59: {  	v1 =	vld [tilespmem:s22+$0xFFFFFFD0];
	_ =	sdelay $0x4  }
0x5a: {  	v1 =	vmul.f32 v2, v1  }
0x5b: {  	v2 =	vbroadcast v0, $0x6  }
0x5c: {  	[tilespmem:s22+$0xFFFFFFD0] =	vst v1  }
0x5d: {  	[tilespmem:s26+$0xFFFFFFE0] =	vst v2  }
0x5e: {  	v1 =	vld [tilespmem:s22+$0xFFFFFFE0];
	_ =	sdelay $0x4  }
0x5f: {  	v1 =	vmul.f32 v1, v2  }
0x60: {  	v2 =	vbroadcast v0, $0x7  }
0x61: {  	[tilespmem:s22+$0xFFFFFFE0] =	vst v1  }
0x62: {  	[tilespmem:s26+$0xFFFFFFF0] =	vst v2  }
0x63: {  	v1 =	vld [tilespmem:s22+$0xFFFFFFF0];
	_ =	sdelay $0x4  }
0x64: {  	v1 =	vmul.f32 v1, v2  }
0x65: {  	v2 =	vbroadcast v0, $0x8  }
0x66: {  	[tilespmem:s22+$0xFFFFFFF0] =	vst v1  }
0x67: {  	[tilespmem:s26+$0x0] =	vst v2  }
0x68: {  	v1 =	vld [tilespmem:s22+$0x0];
	_ =	sdelay $0x4  }
0x69: {  	v1 =	vmul.f32 v1, v2  }
0x6a: {  	v2 =	vbroadcast v0, $0x9  }
0x6b: {  	[tilespmem:s22+$0x0] =	vst v1  }
0x6c: {  	[tilespmem:s26+$0x10] =	vst v2  }
0x6d: {  	v1 =	vld [tilespmem:s22+$0x10];
	_ =	sdelay $0x4  }
0x6e: {  	v1 =	vmul.f32 v1, v2  }
0x6f: {  	v2 =	vbroadcast v0, $0xA  }
0x70: {  	[tilespmem:s22+$0x10] =	vst v1  }
0x71: {  	[tilespmem:s26+$0x20] =	vst v2  }
0x72: {  	v1 =	vld [tilespmem:s22+$0x20];
	_ =	sdelay $0x4  }
0x73: {  	v1 =	vmul.f32 v1, v2  }
0x74: {  	v2 =	vbroadcast v0, $0xB  }
0x75: {  	[tilespmem:s22+$0x20] =	vst v1  }
0x76: {  	[tilespmem:s26+$0x30] =	vst v2  }
0x77: {  	v1 =	vld [tilespmem:s22+$0x30];
	_ =	sdelay $0x4  }
0x78: {  	v1 =	vmul.f32 v1, v2  }
0x79: {  	v2 =	vbroadcast v0, $0xC  }
0x7a: {  	[tilespmem:s22+$0x30] =	vst v1  }
0x7b: {  	[tilespmem:s26+$0x40] =	vst v2  }
0x7c: {  	v1 =	vld [tilespmem:s22+$0x40];
	_ =	sdelay $0x4  }
0x7d: {  	v1 =	vmul.f32 v1, v2  }
0x7e: {  	v2 =	vbroadcast v0, $0xD  }
0x7f: {  	[tilespmem:s22+$0x40] =	vst v1  }
0x80: {  	[tilespmem:s26+$0x50] =	vst v2  }
0x81: {  	v1 =	vld [tilespmem:s22+$0x50];
	_ =	sdelay $0x4  }
0x82: {  	v1 =	vmul.f32 v1, v2  }
0x83: {  	v2 =	vbroadcast v0, $0xE  }
0x84: {  	[tilespmem:s22+$0x50] =	vst v1  }
0x85: {  	[tilespmem:s26+$0x60] =	vst v2  }
0x86: {  	v1 =	vld [tilespmem:s22+$0x60];
	_ =	sdelay $0x4  }
0x87: {  	v1 =	vmul.f32 v1, v2  }
0x88: {  	v0 =	vbroadcast v0, $0xF  }
0x89: {  	[tilespmem:s22+$0x60] =	vst v1  }
0x8a: {  	[tilespmem:s26+$0x70] =	vst v0  }
0x8b: {  	v1 =	vld [tilespmem:s22+$0x70];
	_ =	sdelay $0x4  }
0x8c: {  	v0 =	vmul.f32 v1, v0;
	_ =	sdelay $0x1  }
0x8d: {  	s28 =	simm.s32 $0x10;
	[tilespmem:s22+$0x70] =	vst v0  }
0x8e: {  	v0 =	vld [tilespmem:s28+$0xF800];
	_ =	sdelay $0x1  }
0x8f: {  	v1 =	vld [tilespmem:s28+$0xFA80];
	_ =	sdelay $0x2  }
0x90: {  	v0 =	vadd.f32 $1.000000000e+00, v0;
	_ =	sdelay $0x1  }
0x91: {  	v0 =	vadd.f32 v1, v0;
	_ =	sdelay $0x1  }
0x92: {  	v1 =	vshrl.u32 v0, $0x1;
	v0 =	vmul.f32 $5.000000000e-01, v0  }
0x93: {  	v1 =	vsub.s32 $0x5F3759DF, v1  }
0x94: {  	v2 =	vmul.f32 v1, v0;
	_ =	sdelay $0x1  }
0x95: {  	s28 =	simm.s32 $0x80;
	v2 =	vmul.f32 v1, v2  }
.LBB2_2:
0x96: {  	p1 =	sne.s32 s28, $0x9C0  }
0x97: {  	v2 =	vsub.f32 $1.500000000e+00, v2;
	_ =	sdelay $0x1  }
0x98: {  	v1 =	vmul.f32 v1, v2;
	_ =	sdelay $0x1  }
0x99: {  	v2 =	vmul.f32 v1, v0;
	_ =	sdelay $0x1  }
0x9a: {  	v2 =	vmul.f32 v2, v1;
	_ =	sdelay $0x1  }
0x9b: {  	v2 =	vsub.f32 $1.500000000e+00, v2;
	_ =	sdelay $0x1  }
0x9c: {  	v1 =	vmul.f32 v2, v1;
	_ =	sdelay $0x1  }
0x9d: {  	v0 =	vmul.f32 v1, v0;
	_ =	sdelay $0x1  }
0x9e: {  	v0 =	vmul.f32 v0, v1;
	_ =	sdelay $0x1  }
0x9f: {  	v0 =	vsub.f32 $1.500000000e+00, v0;
	_ =	sdelay $0x1  }
0xa0: {  	v0 =	vmul.f32 v0, v1;
	_ =	sdelay $0x1  }
0xa1: {  	v6 =	vbroadcast v0, $0x0;
	v7 =	vbroadcast v0, $0x1  }
0xa2: {  	s26 =	sadd.s32 $0x100, s26;
	v8 =	vbroadcast v0, $0x2;
	v9 =	vbroadcast v0, $0x3  }
0xa3: {  	s22 =	sadd.s32 $0x100, s22;
	v10 =	vbroadcast v0, $0x4;
	v11 =	vbroadcast v0, $0x5;
	[tilespmem:s26+$0xFFFFFF80] =	vst v6  }
0xa4: {  	v13 =	vbroadcast v0, $0x6;
	v14 =	vbroadcast v0, $0x7;
	v12 =	vld [tilespmem:s22+$0xFFFFFF80]  }
0xa5: {  	v15 =	vbroadcast v0, $0x8;
	v16 =	vbroadcast v0, $0x9  }
0xa6: {  	v5 =	vbroadcast v0, $0xA;
	v4 =	vbroadcast v0, $0xB  }
0xa7: {  	v3 =	vbroadcast v0, $0xC;
	v2 =	vbroadcast v0, $0xD  }
0xa8: {  	v1 =	vbroadcast v0, $0xE;
	v0 =	vbroadcast v0, $0xF  }
0xa9: {  	v6 =	vmul.f32 v6, v12;
	_ =	sdelay $0x1  }
0xaa: {  	[tilespmem:s22+$0xFFFFFF80] =	vst v6  }
0xab: {  	[tilespmem:s26+$0xFFFFFF90] =	vst v7  }
0xac: {  	v6 =	vld [tilespmem:s22+$0xFFFFFF90];
	_ =	sdelay $0x4  }
0xad: {  	v6 =	vmul.f32 v7, v6;
	_ =	sdelay $0x1  }
0xae: {  	[tilespmem:s22+$0xFFFFFF90] =	vst v6  }
0xaf: {  	[tilespmem:s26+$0xFFFFFFA0] =	vst v8  }
0xb0: {  	v6 =	vld [tilespmem:s22+$0xFFFFFFA0];
	_ =	sdelay $0x4  }
0xb1: {  	v6 =	vmul.f32 v8, v6;
	_ =	sdelay $0x1  }
0xb2: {  	[tilespmem:s22+$0xFFFFFFA0] =	vst v6  }
0xb3: {  	[tilespmem:s26+$0xFFFFFFB0] =	vst v9  }
0xb4: {  	v6 =	vld [tilespmem:s22+$0xFFFFFFB0];
	_ =	sdelay $0x4  }
0xb5: {  	v6 =	vmul.f32 v9, v6;
	_ =	sdelay $0x1  }
0xb6: {  	[tilespmem:s22+$0xFFFFFFB0] =	vst v6  }
0xb7: {  	[tilespmem:s26+$0xFFFFFFC0] =	vst v10  }
0xb8: {  	v6 =	vld [tilespmem:s22+$0xFFFFFFC0];
	_ =	sdelay $0x4  }
0xb9: {  	v6 =	vmul.f32 v10, v6;
	_ =	sdelay $0x1  }
0xba: {  	[tilespmem:s22+$0xFFFFFFC0] =	vst v6  }
0xbb: {  	[tilespmem:s26+$0xFFFFFFD0] =	vst v11  }
0xbc: {  	v6 =	vld [tilespmem:s22+$0xFFFFFFD0];
	_ =	sdelay $0x4  }
0xbd: {  	v6 =	vmul.f32 v11, v6;
	_ =	sdelay $0x1  }
0xbe: {  	[tilespmem:s22+$0xFFFFFFD0] =	vst v6  }
0xbf: {  	[tilespmem:s26+$0xFFFFFFE0] =	vst v13  }
0xc0: {  	v6 =	vld [tilespmem:s22+$0xFFFFFFE0];
	_ =	sdelay $0x4  }
0xc1: {  	v6 =	vmul.f32 v6, v13;
	_ =	sdelay $0x1  }
0xc2: {  	[tilespmem:s22+$0xFFFFFFE0] =	vst v6  }
0xc3: {  	[tilespmem:s26+$0xFFFFFFF0] =	vst v14  }
0xc4: {  	v6 =	vld [tilespmem:s22+$0xFFFFFFF0];
	_ =	sdelay $0x4  }
0xc5: {  	v6 =	vmul.f32 v6, v14;
	_ =	sdelay $0x1  }
0xc6: {  	[tilespmem:s22+$0xFFFFFFF0] =	vst v6  }
0xc7: {  	[tilespmem:s26+$0x0] =	vst v15  }
0xc8: {  	v6 =	vld [tilespmem:s22+$0x0];
	_ =	sdelay $0x4  }
0xc9: {  	v6 =	vmul.f32 v6, v15;
	_ =	sdelay $0x1  }
0xca: {  	[tilespmem:s22+$0x0] =	vst v6  }
0xcb: {  	[tilespmem:s26+$0x10] =	vst v16  }
0xcc: {  	v6 =	vld [tilespmem:s22+$0x10];
	_ =	sdelay $0x4  }
0xcd: {  	v6 =	vmul.f32 v6, v16;
	_ =	sdelay $0x1  }
0xce: {  	[tilespmem:s22+$0x10] =	vst v6  }
0xcf: {  	[tilespmem:s26+$0x20] =	vst v5  }
0xd0: {  	v6 =	vld [tilespmem:s22+$0x20];
	_ =	sdelay $0x4  }
0xd1: {  	v5 =	vmul.f32 v6, v5;
	_ =	sdelay $0x1  }
0xd2: {  	[tilespmem:s22+$0x20] =	vst v5  }
0xd3: {  	[tilespmem:s26+$0x30] =	vst v4  }
0xd4: {  	v5 =	vld [tilespmem:s22+$0x30];
	_ =	sdelay $0x4  }
0xd5: {  	v4 =	vmul.f32 v5, v4;
	_ =	sdelay $0x1  }
0xd6: {  	[tilespmem:s22+$0x30] =	vst v4  }
0xd7: {  	[tilespmem:s26+$0x40] =	vst v3  }
0xd8: {  	v4 =	vld [tilespmem:s22+$0x40];
	_ =	sdelay $0x4  }
0xd9: {  	v3 =	vmul.f32 v4, v3;
	_ =	sdelay $0x1  }
0xda: {  	[tilespmem:s22+$0x40] =	vst v3  }
0xdb: {  	[tilespmem:s26+$0x50] =	vst v2  }
0xdc: {  	v3 =	vld [tilespmem:s22+$0x50];
	_ =	sdelay $0x4  }
0xdd: {  	v2 =	vmul.f32 v3, v2;
	_ =	sdelay $0x1  }
0xde: {  	[tilespmem:s22+$0x50] =	vst v2  }
0xdf: {  	[tilespmem:s26+$0x60] =	vst v1  }
0xe0: {  	v2 =	vld [tilespmem:s22+$0x60];
	_ =	sdelay $0x4  }
0xe1: {  	v1 =	vmul.f32 v2, v1;
	_ =	sdelay $0x1  }
0xe2: {  	[tilespmem:s22+$0x60] =	vst v1  }
0xe3: {  	[tilespmem:s26+$0x70] =	vst v0  }
0xe4: {  	v1 =	vld [tilespmem:s22+$0x70];
	_ =	sdelay $0x4  }
0xe5: {  	v0 =	vmul.f32 v1, v0;
	_ =	sdelay $0x1  }
0xe6: {  	s29 =	sshra.s32 s28, $0x2;
	[tilespmem:s22+$0x70] =	vst v0  }
0xe7: {  	v0 =	vld [tilespmem:s29+$0xF800];
	_ =	sdelay $0x1  }
0xe8: {  	v1 =	vld [tilespmem:s29+$0xFA80];
	_ =	sdelay $0x2  }
0xe9: {  	v0 =	vadd.f32 $1.000000000e+00, v0;
	_ =	sdelay $0x1  }
0xea: {  	v0 =	vadd.f32 v1, v0;
	_ =	sdelay $0x1  }
.Ltmp0:
0xeb: {  	v1 =	vshrl.u32 v0, $0x1;
	v0 =	vmul.f32 $5.000000000e-01, v0;
	(pc) =	sbr.rel @p1 .LBB2_2-.Ltmp0, $3  }
0xec: {  	v1 =	vsub.s32 $0x5F3759DF, v1  }
0xed: {  	v2 =	vmul.f32 v1, v0;
	_ =	sdelay $0x1  }
0xee: {  	s28 =	sadd.s32 $0x40, s28;
	v2 =	vmul.f32 v1, v2  }
0xef: {  	_ = 	snop  }
0xf0: {  	v2 =	vsub.f32 $1.500000000e+00, v2;
	_ =	sdelay $0x1  }
0xf1: {  	v1 =	vmul.f32 v1, v2;
	_ =	sdelay $0x1  }
0xf2: {  	v2 =	vmul.f32 v1, v0;
	_ =	sdelay $0x1  }
0xf3: {  	v2 =	vmul.f32 v2, v1;
	_ =	sdelay $0x1  }
0xf4: {  	v2 =	vsub.f32 $1.500000000e+00, v2;
	_ =	sdelay $0x1  }
0xf5: {  	v1 =	vmul.f32 v2, v1;
	_ =	sdelay $0x1  }
0xf6: {  	v33 =	vmul.f32 v1, v0;
	_ =	sdelay $0x1  }
0xf7: {  	v0 =	vmul.f32 v33, v1;
	_ =	sdelay $0x1  }
0xf8: {  	v0 =	vsub.f32 $1.500000000e+00, v0;
	_ =	sdelay $0x1  }
0xf9: {  	v0 =	vmul.f32 v0, v1;
	_ =	sdelay $0x1  }
0xfa: {  	v1 =	vbroadcast v0, $0x0  }
0xfb: {  	s26 =	sadd.s32 $0x100, s26  }
0xfc: {  	s22 =	sadd.s32 $0x100, s22;
	[tilespmem:s26+$0xFFFFFF80] =	vst v1  }
0xfd: {  	v34 =	vld [tilespmem:s22+$0xFFFFFF80];
	_ =	sdelay $0x4  }
0xfe: {  	v1 =	vmul.f32 v1, v34  }
0xff: {  	v35 =	vbroadcast v0, $0x1  }
0x100: {  	[tilespmem:s22+$0xFFFFFF80] =	vst v1  }
0x101: {  	[tilespmem:s26+$0xFFFFFF90] =	vst v35  }
0x102: {  	v36 =	vld [tilespmem:s22+$0xFFFFFF90];
	_ =	sdelay $0x4  }
0x103: {  	v1 =	vmul.f32 v35, v36  }
0x104: {  	v37 =	vbroadcast v0, $0x2  }
0x105: {  	[tilespmem:s22+$0xFFFFFF90] =	vst v1  }
0x106: {  	[tilespmem:s26+$0xFFFFFFA0] =	vst v37  }
0x107: {  	v38 =	vld [tilespmem:s22+$0xFFFFFFA0];
	_ =	sdelay $0x4  }
0x108: {  	v1 =	vmul.f32 v37, v38  }
0x109: {  	v39 =	vbroadcast v0, $0x3  }
0x10a: {  	[tilespmem:s22+$0xFFFFFFA0] =	vst v1  }
0x10b: {  	[tilespmem:s26+$0xFFFFFFB0] =	vst v39  }
0x10c: {  	v40 =	vld [tilespmem:s22+$0xFFFFFFB0];
	_ =	sdelay $0x4  }
0x10d: {  	v1 =	vmul.f32 v39, v40  }
0x10e: {  	v41 =	vbroadcast v0, $0x4  }
0x10f: {  	[tilespmem:s22+$0xFFFFFFB0] =	vst v1  }
0x110: {  	[tilespmem:s26+$0xFFFFFFC0] =	vst v41  }
0x111: {  	v42 =	vld [tilespmem:s22+$0xFFFFFFC0];
	_ =	sdelay $0x4  }
0x112: {  	v1 =	vmul.f32 v41, v42  }
0x113: {  	v43 =	vbroadcast v0, $0x5  }
0x114: {  	[tilespmem:s22+$0xFFFFFFC0] =	vst v1  }
0x115: {  	[tilespmem:s26+$0xFFFFFFD0] =	vst v43  }
0x116: {  	v44 =	vld [tilespmem:s22+$0xFFFFFFD0];
	_ =	sdelay $0x4  }
0x117: {  	v1 =	vmul.f32 v43, v44  }
0x118: {  	v45 =	vbroadcast v0, $0x6  }
0x119: {  	[tilespmem:s22+$0xFFFFFFD0] =	vst v1  }
0x11a: {  	[tilespmem:s26+$0xFFFFFFE0] =	vst v45  }
0x11b: {  	v46 =	vld [tilespmem:s22+$0xFFFFFFE0];
	_ =	sdelay $0x4  }
0x11c: {  	v1 =	vmul.f32 v46, v45  }
0x11d: {  	v47 =	vbroadcast v0, $0x7  }
0x11e: {  	[tilespmem:s22+$0xFFFFFFE0] =	vst v1  }
0x11f: {  	[tilespmem:s26+$0xFFFFFFF0] =	vst v47  }
0x120: {  	v48 =	vld [tilespmem:s22+$0xFFFFFFF0];
	_ =	sdelay $0x4  }
0x121: {  	v1 =	vmul.f32 v48, v47  }
0x122: {  	v49 =	vbroadcast v0, $0x8  }
0x123: {  	[tilespmem:s22+$0xFFFFFFF0] =	vst v1  }
0x124: {  	[tilespmem:s26+$0x0] =	vst v49  }
0x125: {  	v50 =	vld [tilespmem:s22+$0x0];
	_ =	sdelay $0x4  }
0x126: {  	v1 =	vmul.f32 v50, v49  }
0x127: {  	v51 =	vbroadcast v0, $0x9  }
0x128: {  	[tilespmem:s22+$0x0] =	vst v1  }
0x129: {  	[tilespmem:s26+$0x10] =	vst v51  }
0x12a: {  	v52 =	vld [tilespmem:s22+$0x10];
	_ =	sdelay $0x4  }
0x12b: {  	v1 =	vmul.f32 v52, v51  }
0x12c: {  	v53 =	vbroadcast v0, $0xA  }
0x12d: {  	[tilespmem:s22+$0x10] =	vst v1  }
0x12e: {  	[tilespmem:s26+$0x20] =	vst v53  }
0x12f: {  	v54 =	vld [tilespmem:s22+$0x20];
	_ =	sdelay $0x4  }
0x130: {  	v1 =	vmul.f32 v54, v53  }
0x131: {  	v55 =	vbroadcast v0, $0xB  }
0x132: {  	[tilespmem:s22+$0x20] =	vst v1  }
0x133: {  	[tilespmem:s26+$0x30] =	vst v55  }
0x134: {  	v56 =	vld [tilespmem:s22+$0x30];
	_ =	sdelay $0x4  }
0x135: {  	v1 =	vmul.f32 v56, v55  }
0x136: {  	v57 =	vbroadcast v0, $0xC  }
0x137: {  	[tilespmem:s22+$0x30] =	vst v1  }
0x138: {  	[tilespmem:s26+$0x40] =	vst v57  }
0x139: {  	v58 =	vld [tilespmem:s22+$0x40];
	_ =	sdelay $0x4  }
0x13a: {  	v1 =	vmul.f32 v58, v57  }
0x13b: {  	v59 =	vbroadcast v0, $0xD  }
0x13c: {  	[tilespmem:s22+$0x40] =	vst v1  }
0x13d: {  	[tilespmem:s26+$0x50] =	vst v59  }
0x13e: {  	v60 =	vld [tilespmem:s22+$0x50];
	_ =	sdelay $0x4  }
0x13f: {  	v1 =	vmul.f32 v60, v59  }
0x140: {  	v61 =	vbroadcast v0, $0xE  }
0x141: {  	[tilespmem:s22+$0x50] =	vst v1  }
0x142: {  	[tilespmem:s26+$0x60] =	vst v61  }
0x143: {  	v62 =	vld [tilespmem:s22+$0x60];
	_ =	sdelay $0x4  }
0x144: {  	v1 =	vmul.f32 v62, v61  }
0x145: {  	v0 =	vbroadcast v0, $0xF  }
0x146: {  	[tilespmem:s22+$0x60] =	vst v1  }
0x147: {  	[tilespmem:s26+$0x70] =	vst v0  }
0x148: {  	v63 =	vld [tilespmem:s22+$0x70];
	_ =	sdelay $0x4  }
0x149: {  	v0 =	vmul.f32 v63, v0;
	_ =	sdelay $0x1  }
0x14a: {  	[tilespmem:s22+$0x70] =	vst v0  }
0x14b: {  	[spmem:s11] =	stream.linear.scatter [tilespmem:s20], [sflag:$0x2], $0x2780, $0x38;
	[tilespmem:$0x17400] =	vst v63  }
0x14c: {  	_ =	swait.ge [sflag:s16], $0x2780  }
0x14d: {  	[sflag:s16] =	ssyncset.done $0x0  }
0x14e: {  	s26 =	simm.s32 @!p0 $0xD000;
	s22 =	simm.s32 @!p0 $0x0;
	[sflag:s16] =	ssyncadd.s32 $0xFFFFD880  }
0x14f: {  	[hbm4b:s12+s22] =	stream.linear.scatter @!p0 [tilespmem:s26], [sflag:$0x2], $0x2780, $0x38;
	[tilespmem:$0x17400] =	vst v63  }
0x150: {  	s26 =	simm.s32 @!p0 $0x2  }
0x151: {  	_ =	swait.ge @!p0 [sflag:s26], $0x2780  }
0x152: {  	[sflag:s26] =	ssyncset.done @!p0 $0x0  }
0x153: {  	s28 =	simm.s32 @!p0 $0xFD00;
	[sflag:s26] =	ssyncadd.s32 @!p0 $0xFFFFD880  }
0x154: {  	[hbm4b:s13+s22] =	stream.linear.scatter @!p0 [tilespmem:s28], [sflag:$0x2], $0x2780, $0x38;
	[tilespmem:$0x17400] =	vst v63  }
0x155: {  	_ =	swait.ge @!p0 [sflag:s26], $0x2780  }
0x156: {  	[sflag:s26] =	ssyncset.done @!p0 $0x0  }
0x157: {  	[sflag:s26] =	ssyncadd.s32 @!p0 $0xFFFFD880  }
0x158: {  	[bflag:$0x0] =	sbarrier.arrive $0xFFFF  }
0x159: {  	[tilespmem:s24], [sflag:$0x1] =	stream.indirect.gather [spmem:s3], $0x10, s4, s23, $0xb8;
	[tilespmem:$0x17400] =	vst v63  }
0x15a: {  	_ =	swait.ge [sflag:s25], $0x8000  }
0x15b: {  	[sflag:s25] =	ssyncset.done $0x0  }
0x15c: {  	[sflag:s25] =	ssyncadd.s32 $0xFFFF8000  }
0x15d: {  	[spmem:s2] =	stream.indirect.scatter.add.f32 [tilespmem:s24], [sflag:$0x2], $0x10, s17, s23, $0xb8;
	[tilespmem:$0x17400] =	vst v63  }
0x15e: {  	_ =	swait.ge [sflag:s16], $0x8000  }
0x15f: {  	[sflag:s16] =	ssyncset.done $0x0  }
0x160: {  	[sflag:s16] =	ssyncadd.s32 $0xFFFF8000  }
0x161: {  	[tilespmem:s24], [sflag:$0x1] =	stream.indirect.gather [spmem:s3], $0x10, s23, s23, $0xb8;
	[tilespmem:$0x17400] =	vst v63  }
0x162: {  	_ =	swait.ge [sflag:s25], $0x8000  }
0x163: {  	[sflag:s25] =	ssyncset.done $0x0  }
0x164: {  	s26 =	simm.s32 $0x3000;
	[sflag:s25] =	ssyncadd.s32 $0xFFFF8000  }
0x165: {  	[spmem:s2] =	stream.indirect.scatter.add.f32 [tilespmem:s24], [sflag:$0x2], $0x10, s26, s23, $0xb8;
	[tilespmem:$0x17400] =	vst v63  }
0x166: {  	_ =	swait.ge [sflag:s16], $0x8000  }
0x167: {  	[sflag:s16] =	ssyncset.done $0x0  }
0x168: {  	s28 =	simm.s32 $0x1000;
	[sflag:s16] =	ssyncadd.s32 $0xFFFF8000  }
0x169: {  	[tilespmem:s24], [sflag:$0x1] =	stream.indirect.gather [spmem:s3], $0x10, s28, s23, $0xb8;
	[tilespmem:$0x17400] =	vst v63  }
0x16a: {  	_ =	swait.ge [sflag:s25], $0x8000  }
0x16b: {  	[sflag:s25] =	ssyncset.done $0x0  }
0x16c: {  	s29 =	simm.s32 $0x3800;
	[sflag:s25] =	ssyncadd.s32 $0xFFFF8000  }
0x16d: {  	[spmem:s2] =	stream.indirect.scatter.add.f32 [tilespmem:s24], [sflag:$0x2], $0x10, s29, s23, $0xb8;
	[tilespmem:$0x17400] =	vst v63  }
0x16e: {  	_ =	swait.ge [sflag:s16], $0x8000  }
0x16f: {  	[sflag:s16] =	ssyncset.done $0x0  }
0x170: {  	[sflag:s16] =	ssyncadd.s32 $0xFFFF8000  }
0x171: {  	[tilespmem:s24], [sflag:$0x1] =	stream.indirect.gather [spmem:s3], $0x10, s30, s23, $0xb8;
	[tilespmem:$0x17400] =	vst v63  }
0x172: {  	_ =	swait.ge [sflag:s25], $0x8000  }
0x173: {  	[sflag:s25] =	ssyncset.done $0x0  }
0x174: {  	[sflag:s25] =	ssyncadd.s32 $0xFFFF8000  }
0x175: {  	[spmem:s2] =	stream.indirect.scatter.add.f32 [tilespmem:s24], [sflag:$0x2], $0x10, s31, s23, $0xb8;
	[tilespmem:$0x17400] =	vst v63  }
0x176: {  	_ =	swait.ge [sflag:s16], $0x8000  }
0x177: {  	[sflag:s16] =	ssyncset.done $0x0  }
0x178: {  	[sflag:s16] =	ssyncadd.s32 $0xFFFF8000  }
0x179: {  	[tilespmem:s24], [sflag:$0x1] =	stream.indirect.gather [spmem:s3], $0x10, s1, s23, $0xb8;
	[tilespmem:$0x17400] =	vst v63  }
0x17a: {  	_ =	swait.ge [sflag:s25], $0x8000  }
0x17b: {  	[sflag:s25] =	ssyncset.done $0x0  }
0x17c: {  	[sflag:s25] =	ssyncadd.s32 $0xFFFF8000  }
0x17d: {  	[spmem:s2] =	stream.indirect.scatter.add.f32 [tilespmem:s24], [sflag:$0x2], $0x10, s0, s23, $0xb8;
	[tilespmem:$0x17400] =	vst v63  }
0x17e: {  	_ =	swait.ge [sflag:s16], $0x8000  }
0x17f: {  	s21 =	sadd.s32 $0x1, s21;
	[sflag:s16] =	ssyncset.done $0x0  }
0x180: {  	p1 =	sne.s32 s21, s15;
	[sflag:s16] =	ssyncadd.s32 $0xFFFF8000  }
.Ltmp1:
0x181: {  	[bflag:$0x0] =	sbarrier.arrive $0xFFFF;
	(pc) =	sbr.rel @p1 .LBB2_1-.Ltmp1, $4  }
0x182: {  	[hbm:s14], [sflag:s18] =	dma.local [spmem:s19], $0x4F0  }
0x183: {  	_ =	swait.ge [sflag:s16], $0x4F0  }
0x184: {  	[sflag:s16] =	ssyncset.done $0x0  }
0x185: {  	[sflag:s16] =	ssyncadd.s32 $0xFFFFFB10  }
0x186: {  	_ =	sfence.sel $0x180000  }
0x187: {  	[bflag:$0x0] =	sbarrier.arrive $0xFFFF  }
0x188: {  	_ =	strace $0x9000004A  }
0x189: {  	s0 =	stileid.u32;
	[bflag:$0x2] =	sbarrier.arrive $0xFFFF  }
0x18a: {  	p0 =	sne.s32 s0, $0x0;
	s0 =	rddreg [dreg:$0x3]  }
0x18b: {  	s0 =	sadd.s32 @!p0 $0x100000, s0  }
0x18c: {  	[sflag:s0] =	ssyncadd.tile.s32 @!p0 $0x1;
	_ =	shalt  }
.Lfunc_end2:
_tile_overlayer_lowered:
.L_overlay_start_2:
0x18d: {  	(tag) =	ssettag $0x2  }
0x18e: {  	s0 =	rddreg [dreg:$0x0];
	s2 =	stileid.u32  }
0x18f: {  	s1 =	rddreg [dreg:$0x1];
	p0 =	sne.s32 s2, $0x0  }
0x190: {  	s3 =	rddreg [dreg:$0x2];
	[bflag:$0x3] =	sbarrier.arrive $0xFFFF;
	s2 =	simm.s32 @!p0 $0x1C02  }
0x191: {  	[timem:s3], [sflag:s2] =	dma.local @!p0 [hbm:s0], s1  }
0x192: {  	s0 =	simm.s32 @!p0 $0x2  }
0x193: {  	_ =	swait.ge @!p0 [sflag:s0], s1  }
0x194: {  	s1 =	ssub.s32 @!p0 $0x0, s1;
	[sflag:s0] =	ssyncset.done @!p0 $0x0  }
0x195: {  	[sflag:s0] =	ssyncadd.s32 @!p0 s1  }
0x196: {  	[bflag:$0x3] =	sbarrier.arrive $0xFFFF  }
0x197: {  	_ =	shalt  }

// kernel: kernel.13.cloned.1.call-start
scs
__scs_entry_jumppad:
0x0: {  	(pc) =	sbr.rel $0x88, $3  }
0x1: {  	(tag) =	ssettag $0x0;
	lr =	simm.s32 $0x1  }
0x2: {  	[smem:$0x3F9B] =	sst lr;
	_ =	strace $0xD0000000  }
0x3: {  	_ = 	snop  }
0x4: {  	_ = 	snop  }
0x5: {  	_ = 	snop  }
0x6: {  	_ = 	snop  }
0x7: {  	_ = 	snop  }
__scs_overlays_trampoline_lowered:
0x8: {  	[smem:$0x3FAA] =	sst s0  }
0x9: {  	[smem:$0x3FAB] =	sst s1  }
0xa: {  	[smem:$0x3FAC] =	sst s2  }
0xb: {  	[smem:$0x3FAD] =	sst s3  }
0xc: {  	[smem:$0x3FAE] =	sst s4  }
0xd: {  	[smem:$0x3FAF] =	sst s5  }
0xe: {  	[smem:$0x3FB0] =	sst s6  }
0xf: {  	[smem:$0x3FB1] =	sst s7  }
0x10: {  	[smem:$0x3FB2] =	sst s8  }
0x11: {  	[smem:$0x3FB3] =	sst s9;
	s0 =	simm.s32 @!p0 $0x0  }
0x12: {  	s1 =	sld [smem:$0x3F99];
	s0 =	simm.s32 @p0 $0x1  }
0x13: {  	[smem:$0x3FB4] =	sst s0;
	s0 =	simm.s32 @!p1 $0x0  }
0x14: {  	s2 =	sld [smem:$0x3F98];
	s0 =	simm.s32 @p1 $0x1  }
0x15: {  	[smem:$0x3FB5] =	sst s0;
	s0 =	simm.s32 @!p2 $0x0  }
0x16: {  	s3 =	sld [smem:$0x3FDB];
	s0 =	simm.s32 @p2 $0x1  }
0x17: {  	s4 =	simm.s32 $0x1BF5;
	[smem:$0x3FB7] =	sst s0  }
0x18: {  	s0 =	sld [smem:$0x3F9A];
	_ =	swait.ge [sflag:s4], $0x0  }
0x19: {  	s7 =	sld [smem:$0x3F9B]  }
0x1a: {  	s8 =	sadd.s32 $0xFFFFE003, lr  }
0x1b: {  	s9 =	sadd.s32 $0xFFFFFEF7, lr;
	s5 =	simm.s32 $0xFFFFFFFF;
	p2 =	slt.u32 s8, $0xFFFFF086  }
0x1c: {  	p1 =	slt.u32 s9, $0xF7A;
	s5 =	simm.s32 @!p2 $0x0  }
0x1d: {  	s5 =	simm.s32 @p1 $0x1;
	p0 =	seq.s32 s7, s2  }
0x1e: {  	s7 =	smul.u32 @!p0 $0xF7A, s2;
	p2 =	seq.s32 @!p0 s5, $0x0  }
0x1f: {  	s9 =	smul.u32 $0xF7A, s1;
	s8 =	simm.s32 @!p0 $0x1BF5;
	p2 =	por !p2, p0  }
0x20: {  	[sflag:s8] =	ssyncset.s32 @!p0 $0xFFFFF086;
	s6 =	sadd.s32 @!p0 s3, s7;
	s7 =	simm.s32 @!p0 $0x108  }
0x21: {  	s3 =	sadd.s32 s3, s9;
	s6 =	sadd.s32 @!p0 $0x88, s6;
	s7 =	simm.s32 @p2 $0x1082  }
0x22: {  	[simem:s7], [sflag:s8] =	dma.local @!p0 [hbm:s6], $0xF7A  }
0x23: {  	s9 =	sor.u32 $0xD0000000, s2;
	s6 =	simm.s32 $0x108;
	_ =	swait.ge @!p0 [sflag:s8], $0x0  }
0x24: {  	s3 =	sadd.s32 $0x88, s3;
	s6 =	simm.s32 @!p1 $0x1082;
	[sflag:s4] =	ssyncset.s32 $0xFFFFF086  }
0x25: {  	[simem:s6], [sflag:s4] =	dma.local [hbm:s3], $0xF7A  }
0x26: {  	[smem:$0x3F9B] =	sst s1;
	(tag) =	ssettag s2;
	_ =	strace s9  }
0x27: {  	s1 =	sld [smem:$0x3FAB]  }
0x28: {  	s2 =	sld [smem:$0x3FAC]  }
0x29: {  	s4 =	sld [smem:$0x3FAE]  }
0x2a: {  	p0 =	seq.s32 s5, $0x0;
	s5 =	sld [smem:$0x3FAF]  }
0x2b: {  	s6 =	sld [smem:$0x3FB0]  }
0x2c: {  	s7 =	sld [smem:$0x3FB1]  }
0x2d: {  	s3 =	simm.s32 $0x108;
	s8 =	sld [smem:$0x3FB2]  }
0x2e: {  	s3 =	simm.s32 @!p0 $0x1082;
	s9 =	sld [smem:$0x3FB3]  }
0x2f: {  	lr =	sadd.s32 s0, s3;
	s0 =	sld [smem:$0x3FAA]  }
0x30: {  	s3 =	sld [smem:$0x3FAD]  }
0x31: {  	[smem:$0x3FB6] =	sst s10  }
0x32: {  	s10 =	sld [smem:$0x3FB4];
	_ =	sdelay $0x3  }
0x33: {  	p0 =	seq.s32 s10, $0x1;
	s10 =	sld [smem:$0x3FB6];
	_ =	sdelay $0x3  }
0x34: {  	[smem:$0x3FB6] =	sst s10  }
0x35: {  	s10 =	sld [smem:$0x3FB5];
	_ =	sdelay $0x3  }
0x36: {  	p1 =	seq.s32 s10, $0x1;
	s10 =	sld [smem:$0x3FB6];
	_ =	sdelay $0x3  }
0x37: {  	[smem:$0x3FB6] =	sst s10  }
0x38: {  	s10 =	sld [smem:$0x3FB7]  }
0x39: {  	_ = 	snop;
	(pc) =	sbr.ind lr, $3  }
0x3a: {  	_ = 	snop  }
0x3b: {  	_ = 	snop  }
0x3c: {  	p2 =	seq.s32 s10, $0x1;
	s10 =	sld [smem:$0x3FB6]  }
0x3d: {  	_ =	shalt  }
0x3e: {  	_ =	shalt  }
0x3f: {  	_ =	shalt  }
0x40: {  	_ =	shalt  }
0x41: {  	_ =	shalt  }
0x42: {  	_ =	shalt  }
0x43: {  	_ =	shalt  }
0x44: {  	_ =	shalt  }
0x45: {  	_ =	shalt  }
0x46: {  	_ =	shalt  }
0x47: {  	_ =	shalt  }
0x48: {  	_ =	shalt  }
0x49: {  	_ =	shalt  }
0x4a: {  	_ =	shalt  }
0x4b: {  	_ =	shalt  }
0x4c: {  	_ =	shalt  }
0x4d: {  	_ =	shalt  }
0x4e: {  	_ =	shalt  }
0x4f: {  	_ =	shalt  }
0x50: {  	_ =	shalt  }
0x51: {  	_ =	shalt  }
0x52: {  	_ =	shalt  }
0x53: {  	_ =	shalt  }
0x54: {  	_ =	shalt  }
0x55: {  	_ =	shalt  }
0x56: {  	_ =	shalt  }
0x57: {  	_ =	shalt  }
0x58: {  	_ =	shalt  }
0x59: {  	_ =	shalt  }
0x5a: {  	_ =	shalt  }
0x5b: {  	_ =	shalt  }
0x5c: {  	_ =	shalt  }
0x5d: {  	_ =	shalt  }
0x5e: {  	_ =	shalt  }
0x5f: {  	_ =	shalt  }
0x60: {  	_ =	shalt  }
0x61: {  	_ =	shalt  }
0x62: {  	_ =	shalt  }
0x63: {  	_ =	shalt  }
0x64: {  	_ =	shalt  }
0x65: {  	_ =	shalt  }
0x66: {  	_ =	shalt  }
0x67: {  	_ =	shalt  }
0x68: {  	_ =	shalt  }
0x69: {  	_ =	shalt  }
0x6a: {  	_ =	shalt  }
0x6b: {  	_ =	shalt  }
0x6c: {  	_ =	shalt  }
0x6d: {  	_ =	shalt  }
0x6e: {  	_ =	shalt  }
0x6f: {  	_ =	shalt  }
0x70: {  	_ =	shalt  }
0x71: {  	_ =	shalt  }
0x72: {  	_ =	shalt  }
0x73: {  	_ =	shalt  }
0x74: {  	_ =	shalt  }
0x75: {  	_ =	shalt  }
0x76: {  	_ =	shalt  }
0x77: {  	_ =	shalt  }
0x78: {  	_ =	shalt  }
0x79: {  	_ =	shalt  }
0x7a: {  	_ =	shalt  }
0x7b: {  	_ =	shalt  }
0x7c: {  	_ =	shalt  }
0x7d: {  	_ =	shalt  }
0x7e: {  	_ =	shalt  }
0x7f: {  	_ =	shalt  }
0x80: {  	_ =	shalt  }
0x81: {  	_ =	shalt  }
0x82: {  	_ =	shalt  }
0x83: {  	_ =	shalt  }
0x84: {  	_ =	shalt  }
0x85: {  	_ =	shalt  }
0x86: {  	_ =	shalt  }
0x87: {  	_ =	shalt  }
.Lfunc_end0:
.L_simem_size_0:
called_computation.2_lowered:
.L_overlay_start_0:
0x88: {  	s2 =	sld [smem:$0x3FD9]  }
0x89: {  	s3 =	sld [smem:$0x3FFE];
	_ =	sdelay $0x1  }
0x8a: {  	s1 =	srdreg.scid  }
0x8b: {  	s0 =	sand.u32 $0x1, s1  }
0x8c: {  	s17 =	sshll.u32 s0, $0xA;
	s2 =	sadd.s32 s3, s2  }
0x8d: {  	s2 =	sadd.s32 s2, s17  }
0x8e: {  	[smem:$0x3FC2] =	sst s2  }
0x8f: {  	_ = 	snop  }
0x90: {  	s2 =	sld [smem:$0x3FC6];
	(tm) =	ssettm $0x1  }
0x91: {  	s18 =	sld [smem:$0x3FFB];
	_ =	sdelay $0x3  }
0x92: {  	_ =	strace s18  }
0x93: {  	s3 =	sld [smem:$0x3FFC];
	_ =	sdelay $0x3  }
0x94: {  	_ =	strace s3  }
0x95: {  	s3 =	sld [smem:$0x3FFD];
	_ =	sdelay $0x3  }
0x96: {  	_ =	strace s3  }
0x97: {  	_ =	strace $0x8FFFFFFF  }
0x98: {  	s19 =	sld [smem:$0x3FDB];
	_ =	sdelay $0x1  }
0x99: {  	s4 =	simm.s32 $_scs_section_size  }
0x9a: {  	s5 =	simm.s32 $_size__tile_overlayer_lowered;
	s6 =	simm.s32 $_tile_overlayer_lowered  }
0x9b: {  	s22 =	simm.s32 $0x1BFF;
	s21 =	sshll.u32 s6, $0x1;
	s3 =	sadd.s32 s4, s19  }
0x9c: {  	s7 =	simm.s32 $0x0;
	s20 =	sshll.u32 s5, $0x1;
	s5 =	sadd.s32 s21, s3  }
0x9d: {  	[timem:s7], [sflag:s22] =	dma.local [hbm:s5], s20  }
0x9e: {  	_ =	swait.ge [sflag:s22], s20  }
0x9f: {  	s4 =	ssub.s32 $0x0, s20;
	[sflag:s22] =	ssyncset.done $0x0  }
0xa0: {  	[sflag:s22] =	ssyncadd.s32 s4;
	_ =	sdelay $0x1  }
0xa1: {  	s23 =	simm.s32 $0x1B8B  }
0xa2: {  	_ =	swait.ge [sflag:s23], $0x1  }
0xa3: {  	[sflag:s23] =	ssyncset.done $0x0  }
0xa4: {  	s25 =	simm.s32 $0x1B8E;
	s24 =	sld [smem:$0x3FFE];
	[sflag:s23] =	ssyncadd.s32 $0xFFFFFFFF  }
0xa5: {  	s26 =	simm.s32 $execute0_lowered;
	[smem:$0x3FD2] =	sst s25  }
0xa6: {  	s5 =	sshll.u32 s26, $0x1;
	_ =	strace $0x8000004C;
	[dreg:$0x1] =	wrdreg $0xFFFFFFFF  }
0xa7: {  	s28 =	simm.s32 $_size_execute0_lowered;
	s3 =	sadd.s32 s3, s5;
	[dreg:$0x0] =	wrdreg $0x0  }
0xa8: {  	s5 =	sshll.u32 s28, $0x1;
	[dreg:$0x2] =	wrdreg s3  }
0xa9: {  	[dreg:$0x3] =	wrdreg s5  }
0xaa: {  	[dreg:$0x4] =	wrdreg $0xC0  }
0xab: {  	_ =	task [dreg:s7], $0x5FFFF  }
0xac: {  	[dreg:$0x1] =	wrdreg $0xFFFFFFFF  }
0xad: {  	[dreg:$0x0] =	wrdreg $0x60  }
0xae: {  	[dreg:$0x2] =	wrdreg s24  }
0xaf: {  	[dreg:$0x3] =	wrdreg s2  }
0xb0: {  	[dreg:$0x4] =	wrdreg $0x16E100  }
0xb1: {  	[dreg:$0x5] =	wrdreg $0x195900  }
0xb2: {  	[dreg:$0x6] =	wrdreg $0x9  }
0xb3: {  	_ =	task.clear_ibuf [dreg:s7], $0x7FFFF;
	_ =	strace $0x9000004C  }
0xb4: {  	s29 =	simm.s32 $0x9;
	_ =	strace $0x8000004E  }
0xb5: {  	_ =	swait.ge [sflag:s29], $0x1  }
0xb6: {  	[sflag:s29] =	ssyncadd.s32 $0xFFFFFFFF  }
0xb7: {  	_ =	strace $0x9000004E  }
0xb8: {  	_ =	sfence  }
0xb9: {  	s30 =	sld [smem:$0x0];
	_ =	sdelay $0x2  }
0xba: {  	s31 =	sshll.u32 s1, $0xD;
	s1 =	sshrl.u32 s1, $0x2  }
0xbb: {  	s3 =	sand.u32 $0x4000, s31;
	s1 =	sadd.s32 s1, s30  }
0xbc: {  	s0 =	sor.u32 s3, s0;
	s1 =	sshll.u32 s1, $0x11  }
0xbd: {  	s0 =	sor.u32 s1, s0  }
0xbe: {  	s0 =	sadd.s32 $0x8F2B, s0  }
0xbf: {  	[sflag:s0] =	ssyncadd.remote.s32 $0x1  }
0xc0: {  	_ =	sfence.sel $0xFFFF  }
0xc1: {  	[dreg:$0x0] =	wrdreg $0xFFFFFFFF;
	(pc) =	sbr.abs _section_cstart, $3  }
0xc2: {  	[dreg:$0x1] =	wrdreg $0xFFFFFFFF  }
0xc3: {  	_ =	task.clear_ibuf [dreg:s7], $0x2FFFF;
	_ =	strace $0x9FFFFFFF  }
0xc4: {  	(tm) =	ssettm $0x7FFFFFFF  }
0xc5: {  	_ =	shalt  }
tec
execute0_lowered:
.L_overlay_start_1:
0x0: {  	(tag) =	ssettag $0x1  }
0x1: {  	s0 =	rddreg [dreg:$0x0]  }
0x2: {  	s3 =	rddreg [dreg:$0x2];
	s1 =	srdreg.scid  }
0x3: {  	s4 =	rddreg [dreg:$0x3];
	s17 =	stileid.u32;
	s5 =	simm.s32 $0x0  }
0x4: {  	s18 =	simm.s32 $0x2800;
	s21 =	simm.s32 $0xD000;
	s28 =	simm.s32 $0x5000  }
0x5: {  	s29 =	simm.s32 $0x1;
	s22 =	simm.s32 $0x2000;
	s23 =	simm.s32 $0x4800  }
0x6: {  	s24 =	simm.s32 $0x0;
	s1 =	sand.u32 $0x1, s1;
	s13 =	smul.u32 $0x2780, s17  }
0x7: {  	[smem:$0x7FF] =	sst s5;
	s31 =	sshll.u32 s17, $0x6;
	s2 =	sshll.u32 s1, $0x4  }
0x8: {  	s6 =	smul.u32 $0x27800, s1;
	_ =	strace $0x8000004D;
	s7 =	ssub.s32 $0x2, s1  }
0x9: {  	s19 =	sor.u32 $0x1C02, s31;
	p0 =	sne.s32 s1, $0x0;
	s1 =	simm.s32 $0x1800  }
0xa: {  	s2 =	sor.u32 s17, s2;
	s26 =	sshrl.u32 s13, $0x3;
	s8 =	sshrl.u32 s7, $0x1  }
0xb: {  	s30 =	sadd.s32 s13, s3;
	s17 =	simm.s32 $0x2;
	s2 =	smul.u32 $0x500, s2  }
0xc: {  	s6 =	sadd.s32 s13, s6;
	s16 =	ssub.s32 s7, s8;
	s13 =	sadd.s32 s13, s4  }
0xd: {  	s20 =	sshrl.u32 s30, $0x3;
	s6 =	sshrl.u32 s6, $0x3;
	s16 =	smax.u32 s16, $0x1  }
0xe: {  	s2 =	sadd.s32 s2, s0;
	s15 =	sadd.s32 s6, s0;
	s0 =	sadd.s32 s26, s0  }
0xf: {  	s26 =	simm.s32 $0x800;
	s6 =	sadd.s32 $0xCC00, s2;
	s7 =	sadd.s32 $0x1E00, s2  }
0x10: {  	s8 =	sadd.s32 $0x1BC00, s0;
	s9 =	sadd.s32 $0x20C00, s0;
	s10 =	sadd.s32 $0x25B00, s0  }
0x11: {  	s11 =	sadd.s32 $0x2AA00, s0;
	s12 =	sadd.s32 $0x2FA00, s0;
	s14 =	sadd.s32 $0x16C00, s0  }
0x12: {  	s15 =	sadd.s32 $0x34A00, s15;
	s0 =	simm.s32 $0x3800;
	s2 =	simm.s32 $0x4000  }
.LBB2_1:
0x13: {  	[tilespmem:s5], [sflag:$0x2] =	stream.linear.gather [hbm4b:s6+s5], $0x2800, $0x38;
	[tilespmem:$0x1BD10] =	vst v63  }
0x14: {  	_ =	swait.ge [sflag:s17], $0x2800  }
0x15: {  	[sflag:s17] =	ssyncset.done $0x0  }
0x16: {  	[sflag:s17] =	ssyncadd.s32 $0xFFFFD800  }
0x17: {  	[tilespmem:s18], [sflag:$0x2] =	stream.linear.gather [hbm4b:s7+s5], $0x2800, $0x38;
	[tilespmem:$0x1BD10] =	vst v63  }
0x18: {  	_ =	swait.ge [sflag:s17], $0x2800  }
0x19: {  	[sflag:s17] =	ssyncset.done $0x0  }
0x1a: {  	[sflag:s17] =	ssyncadd.s32 $0xFFFFD800  }
0x1b: {  	[spmem:s20], [sflag:s19] =	dma.local [hbm:s8], $0x4F0  }
0x1c: {  	_ =	swait.ge [sflag:s17], $0x4F0  }
0x1d: {  	[sflag:s17] =	ssyncset.done $0x0  }
0x1e: {  	[sflag:s17] =	ssyncadd.s32 $0xFFFFFB10  }
0x1f: {  	[tilespmem:s21], [sflag:$0x2] =	stream.linear.gather [hbm4b:s9+s5], $0x2780, $0x38;
	[tilespmem:$0x1BD10] =	vst v63  }
0x20: {  	_ =	swait.ge [sflag:s17], $0x2780  }
0x21: {  	[sflag:s17] =	ssyncset.done $0x0  }
0x22: {  	s25 =	simm.s32 $0xF780;
	[sflag:s17] =	ssyncadd.s32 $0xFFFFD880  }
0x23: {  	[tilespmem:s25], [sflag:$0x2] =	stream.linear.gather [hbm4b:s10+s5], $0x2780, $0x38;
	[tilespmem:$0x1BD10] =	vst v63  }
0x24: {  	_ =	swait.ge [sflag:s17], $0x2780  }
0x25: {  	[sflag:s17] =	ssyncset.done $0x0  }
0x26: {  	s31 =	simm.s32 $0x11F00;
	[sflag:s17] =	ssyncadd.s32 $0xFFFFD880  }
0x27: {  	[tilespmem:s31], [sflag:$0x2] =	stream.linear.gather [hbm4b:s11+s5], $0x2780, $0x38;
	[tilespmem:$0x1BD10] =	vst v63  }
0x28: {  	_ =	swait.ge [sflag:s17], $0x2780  }
0x29: {  	[sflag:s17] =	ssyncset.done $0x0  }
0x2a: {  	s31 =	simm.s32 $0x14680;
	[sflag:s17] =	ssyncadd.s32 $0xFFFFD880  }
0x2b: {  	[tilespmem:s31], [sflag:$0x2] =	stream.linear.gather [hbm4b:s12+s5], $0x2780, $0x38;
	[tilespmem:$0x1BD10] =	vst v63  }
0x2c: {  	_ =	swait.ge [sflag:s17], $0x2780  }
0x2d: {  	[sflag:s17] =	ssyncset.done $0x0  }
0x2e: {  	[sflag:s17] =	ssyncadd.s32 $0xFFFFD880  }
0x2f: {  	s30 =	simm.s32 $0x16E00;
	s31 =	rddreg [dreg:$0x1]  }
0x30: {  	[tilespmem:s30], [sflag:$0x2] =	stream.linear.gather [hbm4b:s31+s5], $0x10, $0x38;
	[tilespmem:$0x1BD10] =	vst v63  }
0x31: {  	_ =	swait.ge [sflag:s17], $0x10  }
0x32: {  	[sflag:s17] =	ssyncset.done $0x0  }
0x33: {  	[sflag:s17] =	ssyncadd.s32 $0xFFFFFFF0  }
0x34: {  	s25 =	simm.s32 $0x0;
	v0 =	vld [tilespmem:$0x16E00]  }
0x35: {  	s30 =	simm.s32 $0x40;
	v1 =	vld [tilespmem:s25+$0xF780]  }
.LBB2_2:
0x36: {  	p1 =	sne.s32 s30, $0x9DC0;
	v2 =	vld [tilespmem:s25+$0xD000];
	_ =	sdelay $0x1  }
0x37: {  	v3 =	vld [tilespmem:s25+$0x11F00];
	_ =	sdelay $0x1  }
0x38: {  	v4 =	vld [tilespmem:s25+$0x14680]  }
0x39: {  	v1 =	vadd.f32 v1, v2;
	_ =	sdelay $0x1  }
0x3a: {  	v1 =	vadd.f32 v3, v1;
	_ =	sdelay $0x1  }
0x3b: {  	v1 =	vmul.f32 v1, v4;
	_ =	sdelay $0x1  }
0x3c: {  	v1 =	vadd.f32 v1, v0  }
.Ltmp0:
0x3d: {  	(pc) =	sbr.rel @p1 .LBB2_2-.Ltmp0, $4  }
0x3e: {  	v1 =	vmax.f32 v1, $0.0e+00  }
0x3f: {  	v2 =	vmul.f32 v1, v4  }
0x40: {  	s31 =	sshra.s32 s30, $0x2  }
0x41: {  	s30 =	sadd.s32 $0x40, s30;
	v1 =	vld [tilespmem:s31+$0xF780];
	[tilespmem:s25+$0xD000] =	vst v2;
	s25 =	smov.u32 s31  }
0x42: {  	v2 =	vld [tilespmem:s25+$0xD000];
	_ =	sdelay $0x1  }
0x43: {  	v3 =	vld [tilespmem:s25+$0x11F00];
	_ =	sdelay $0x1  }
0x44: {  	v4 =	vld [tilespmem:s25+$0x14680]  }
0x45: {  	v1 =	vadd.f32 v1, v2;
	_ =	sdelay $0x1  }
0x46: {  	v1 =	vadd.f32 v3, v1;
	_ =	sdelay $0x1  }
0x47: {  	v1 =	vmul.f32 v1, v4;
	_ =	sdelay $0x1  }
0x48: {  	v0 =	vadd.f32 v1, v0;
	_ =	sdelay $0x1  }
0x49: {  	v0 =	vmax.f32 v0, $0.0e+00  }
0x4a: {  	v0 =	vmul.f32 v0, v4;
	_ =	sdelay $0x1  }
0x4b: {  	[tilespmem:s25+$0xD000] =	vst v0  }
0x4c: {  	[spmem:s13] =	stream.linear.scatter [tilespmem:s21], [sflag:$0x2], $0x2780, $0x38;
	[tilespmem:$0x1BD10] =	vst v63  }
0x4d: {  	_ =	swait.ge [sflag:s17], $0x2780  }
0x4e: {  	[sflag:s17] =	ssyncset.done $0x0  }
0x4f: {  	s30 =	simm.s32 @!p0 $0xD000;
	s25 =	simm.s32 @!p0 $0x0;
	[sflag:s17] =	ssyncadd.s32 $0xFFFFD880  }
0x50: {  	[hbm4b:s14+s25] =	stream.linear.scatter @!p0 [tilespmem:s30], [sflag:$0x2], $0x2780, $0x38;
	[tilespmem:$0x1BD10] =	vst v63  }
0x51: {  	s25 =	simm.s32 @!p0 $0x2  }
0x52: {  	_ =	swait.ge @!p0 [sflag:s25], $0x2780  }
0x53: {  	[sflag:s25] =	ssyncset.done @!p0 $0x0  }
0x54: {  	[sflag:s25] =	ssyncadd.s32 @!p0 $0xFFFFD880  }
0x55: {  	[bflag:$0x0] =	sbarrier.arrive $0xFFFF  }
0x56: {  	[tilespmem:s28], [sflag:$0x1] =	stream.indirect.gather [spmem:s4], $0x10, s5, s26, $0xb8;
	[tilespmem:$0x1BD10] =	vst v63  }
0x57: {  	_ =	swait.ge [sflag:s29], $0x8000  }
0x58: {  	[sflag:s29] =	ssyncset.done $0x0  }
0x59: {  	[sflag:s29] =	ssyncadd.s32 $0xFFFF8000  }
0x5a: {  	[spmem:s3] =	stream.indirect.scatter.add.f32 [tilespmem:s28], [sflag:$0x2], $0x10, s18, s26, $0xb8;
	[tilespmem:$0x1BD10] =	vst v63  }
0x5b: {  	_ =	swait.ge [sflag:s17], $0x8000  }
0x5c: {  	[sflag:s17] =	ssyncset.done $0x0  }
0x5d: {  	[sflag:s17] =	ssyncadd.s32 $0xFFFF8000  }
0x5e: {  	[tilespmem:s28], [sflag:$0x1] =	stream.indirect.gather [spmem:s4], $0x10, s26, s26, $0xb8;
	[tilespmem:$0x1BD10] =	vst v63  }
0x5f: {  	_ =	swait.ge [sflag:s29], $0x8000  }
0x60: {  	[sflag:s29] =	ssyncset.done $0x0  }
0x61: {  	s30 =	simm.s32 $0x3000;
	[sflag:s29] =	ssyncadd.s32 $0xFFFF8000  }
0x62: {  	[spmem:s3] =	stream.indirect.scatter.add.f32 [tilespmem:s28], [sflag:$0x2], $0x10, s30, s26, $0xb8;
	[tilespmem:$0x1BD10] =	vst v63  }
0x63: {  	_ =	swait.ge [sflag:s17], $0x8000  }
0x64: {  	[sflag:s17] =	ssyncset.done $0x0  }
0x65: {  	s31 =	simm.s32 $0x1000;
	[sflag:s17] =	ssyncadd.s32 $0xFFFF8000  }
0x66: {  	[tilespmem:s28], [sflag:$0x1] =	stream.indirect.gather [spmem:s4], $0x10, s31, s26, $0xb8;
	[tilespmem:$0x1BD10] =	vst v63  }
0x67: {  	_ =	swait.ge [sflag:s29], $0x8000  }
0x68: {  	[sflag:s29] =	ssyncset.done $0x0  }
0x69: {  	[sflag:s29] =	ssyncadd.s32 $0xFFFF8000  }
0x6a: {  	[spmem:s3] =	stream.indirect.scatter.add.f32 [tilespmem:s28], [sflag:$0x2], $0x10, s0, s26, $0xb8;
	[tilespmem:$0x1BD10] =	vst v63  }
0x6b: {  	_ =	swait.ge [sflag:s17], $0x8000  }
0x6c: {  	[sflag:s17] =	ssyncset.done $0x0  }
0x6d: {  	[sflag:s17] =	ssyncadd.s32 $0xFFFF8000  }
0x6e: {  	[tilespmem:s28], [sflag:$0x1] =	stream.indirect.gather [spmem:s4], $0x10, s1, s26, $0xb8;
	[tilespmem:$0x1BD10] =	vst v63  }
0x6f: {  	_ =	swait.ge [sflag:s29], $0x8000  }
0x70: {  	[sflag:s29] =	ssyncset.done $0x0  }
0x71: {  	[sflag:s29] =	ssyncadd.s32 $0xFFFF8000  }
0x72: {  	[spmem:s3] =	stream.indirect.scatter.add.f32 [tilespmem:s28], [sflag:$0x2], $0x10, s2, s26, $0xb8;
	[tilespmem:$0x1BD10] =	vst v63  }
0x73: {  	_ =	swait.ge [sflag:s17], $0x8000  }
0x74: {  	[sflag:s17] =	ssyncset.done $0x0  }
0x75: {  	[sflag:s17] =	ssyncadd.s32 $0xFFFF8000  }
0x76: {  	[tilespmem:s28], [sflag:$0x1] =	stream.indirect.gather [spmem:s4], $0x10, s22, s26, $0xb8;
	[tilespmem:$0x1BD10] =	vst v63  }
0x77: {  	_ =	swait.ge [sflag:s29], $0x8000  }
0x78: {  	[sflag:s29] =	ssyncset.done $0x0  }
0x79: {  	[sflag:s29] =	ssyncadd.s32 $0xFFFF8000  }
0x7a: {  	[spmem:s3] =	stream.indirect.scatter.add.f32 [tilespmem:s28], [sflag:$0x2], $0x10, s23, s26, $0xb8;
	[tilespmem:$0x1BD10] =	vst v63  }
0x7b: {  	_ =	swait.ge [sflag:s17], $0x8000  }
0x7c: {  	s24 =	sadd.s32 $0x1, s24;
	[sflag:s17] =	ssyncset.done $0x0  }
0x7d: {  	p1 =	sne.s32 s24, s16;
	[sflag:s17] =	ssyncadd.s32 $0xFFFF8000  }
.Ltmp1:
0x7e: {  	[bflag:$0x0] =	sbarrier.arrive $0xFFFF;
	(pc) =	sbr.rel @p1 .LBB2_1-.Ltmp1, $4  }
0x7f: {  	[hbm:s15], [sflag:s19] =	dma.local [spmem:s20], $0x4F0  }
0x80: {  	_ =	swait.ge [sflag:s17], $0x4F0  }
0x81: {  	[sflag:s17] =	ssyncset.done $0x0  }
0x82: {  	[sflag:s17] =	ssyncadd.s32 $0xFFFFFB10  }
0x83: {  	_ =	sfence.sel $0x180000  }
0x84: {  	[bflag:$0x0] =	sbarrier.arrive $0xFFFF  }
0x85: {  	_ =	strace $0x9000004D  }
0x86: {  	s0 =	stileid.u32;
	[bflag:$0x2] =	sbarrier.arrive $0xFFFF  }
0x87: {  	p0 =	sne.s32 s0, $0x0;
	s0 =	rddreg [dreg:$0x4]  }
0x88: {  	s0 =	sadd.s32 @!p0 $0x100000, s0  }
0x89: {  	[sflag:s0] =	ssyncadd.tile.s32 @!p0 $0x1;
	_ =	shalt  }
.Lfunc_end2:
_tile_overlayer_lowered:
.L_overlay_start_2:
0x8a: {  	(tag) =	ssettag $0x2  }
0x8b: {  	s0 =	rddreg [dreg:$0x0];
	s2 =	stileid.u32  }
0x8c: {  	s1 =	rddreg [dreg:$0x1];
	p0 =	sne.s32 s2, $0x0  }
0x8d: {  	s3 =	rddreg [dreg:$0x2];
	[bflag:$0x3] =	sbarrier.arrive $0xFFFF;
	s2 =	simm.s32 @!p0 $0x1C02  }
0x8e: {  	[timem:s3], [sflag:s2] =	dma.local @!p0 [hbm:s0], s1  }
0x8f: {  	s0 =	simm.s32 @!p0 $0x2  }
0x90: {  	_ =	swait.ge @!p0 [sflag:s0], s1  }
0x91: {  	s1 =	ssub.s32 @!p0 $0x0, s1;
	[sflag:s0] =	ssyncset.done @!p0 $0x0  }
0x92: {  	[sflag:s0] =	ssyncadd.s32 @!p0 s1  }
0x93: {  	[bflag:$0x3] =	sbarrier.arrive $0xFFFF  }
0x94: {  	_ =	shalt  }

// kernel: kernel.7.cloned.1.call-start
scs
__scs_entry_jumppad:
0x0: {  	(pc) =	sbr.rel $0x88, $3  }
0x1: {  	(tag) =	ssettag $0x0;
	lr =	simm.s32 $0x1  }
0x2: {  	[smem:$0x3F9B] =	sst lr;
	_ =	strace $0xD0000000  }
0x3: {  	_ = 	snop  }
0x4: {  	_ = 	snop  }
0x5: {  	_ = 	snop  }
0x6: {  	_ = 	snop  }
0x7: {  	_ = 	snop  }
__scs_overlays_trampoline_lowered:
0x8: {  	[smem:$0x3FAA] =	sst s0  }
0x9: {  	[smem:$0x3FAB] =	sst s1  }
0xa: {  	[smem:$0x3FAC] =	sst s2  }
0xb: {  	[smem:$0x3FAD] =	sst s3  }
0xc: {  	[smem:$0x3FAE] =	sst s4  }
0xd: {  	[smem:$0x3FAF] =	sst s5  }
0xe: {  	[smem:$0x3FB0] =	sst s6  }
0xf: {  	[smem:$0x3FB1] =	sst s7  }
0x10: {  	[smem:$0x3FB2] =	sst s8  }
0x11: {  	[smem:$0x3FB3] =	sst s9;
	s0 =	simm.s32 @!p0 $0x0  }
0x12: {  	s1 =	sld [smem:$0x3F99];
	s0 =	simm.s32 @p0 $0x1  }
0x13: {  	[smem:$0x3FB4] =	sst s0;
	s0 =	simm.s32 @!p1 $0x0  }
0x14: {  	s2 =	sld [smem:$0x3F98];
	s0 =	simm.s32 @p1 $0x1  }
0x15: {  	[smem:$0x3FB5] =	sst s0;
	s0 =	simm.s32 @!p2 $0x0  }
0x16: {  	s3 =	sld [smem:$0x3FDB];
	s0 =	simm.s32 @p2 $0x1  }
0x17: {  	s4 =	simm.s32 $0x1BF5;
	[smem:$0x3FB7] =	sst s0  }
0x18: {  	s0 =	sld [smem:$0x3F9A];
	_ =	swait.ge [sflag:s4], $0x0  }
0x19: {  	s7 =	sld [smem:$0x3F9B]  }
0x1a: {  	s8 =	sadd.s32 $0xFFFFE003, lr  }
0x1b: {  	s9 =	sadd.s32 $0xFFFFFEF7, lr;
	s5 =	simm.s32 $0xFFFFFFFF;
	p2 =	slt.u32 s8, $0xFFFFF086  }
0x1c: {  	p1 =	slt.u32 s9, $0xF7A;
	s5 =	simm.s32 @!p2 $0x0  }
0x1d: {  	s5 =	simm.s32 @p1 $0x1;
	p0 =	seq.s32 s7, s2  }
0x1e: {  	s7 =	smul.u32 @!p0 $0xF7A, s2;
	p2 =	seq.s32 @!p0 s5, $0x0  }
0x1f: {  	s9 =	smul.u32 $0xF7A, s1;
	s8 =	simm.s32 @!p0 $0x1BF5;
	p2 =	por !p2, p0  }
0x20: {  	[sflag:s8] =	ssyncset.s32 @!p0 $0xFFFFF086;
	s6 =	sadd.s32 @!p0 s3, s7;
	s7 =	simm.s32 @!p0 $0x108  }
0x21: {  	s3 =	sadd.s32 s3, s9;
	s6 =	sadd.s32 @!p0 $0x88, s6;
	s7 =	simm.s32 @p2 $0x1082  }
0x22: {  	[simem:s7], [sflag:s8] =	dma.local @!p0 [hbm:s6], $0xF7A  }
0x23: {  	s9 =	sor.u32 $0xD0000000, s2;
	s6 =	simm.s32 $0x108;
	_ =	swait.ge @!p0 [sflag:s8], $0x0  }
0x24: {  	s3 =	sadd.s32 $0x88, s3;
	s6 =	simm.s32 @!p1 $0x1082;
	[sflag:s4] =	ssyncset.s32 $0xFFFFF086  }
0x25: {  	[simem:s6], [sflag:s4] =	dma.local [hbm:s3], $0xF7A  }
0x26: {  	[smem:$0x3F9B] =	sst s1;
	(tag) =	ssettag s2;
	_ =	strace s9  }
0x27: {  	s1 =	sld [smem:$0x3FAB]  }
0x28: {  	s2 =	sld [smem:$0x3FAC]  }
0x29: {  	s4 =	sld [smem:$0x3FAE]  }
0x2a: {  	p0 =	seq.s32 s5, $0x0;
	s5 =	sld [smem:$0x3FAF]  }
0x2b: {  	s6 =	sld [smem:$0x3FB0]  }
0x2c: {  	s7 =	sld [smem:$0x3FB1]  }
0x2d: {  	s3 =	simm.s32 $0x108;
	s8 =	sld [smem:$0x3FB2]  }
0x2e: {  	s3 =	simm.s32 @!p0 $0x1082;
	s9 =	sld [smem:$0x3FB3]  }
0x2f: {  	lr =	sadd.s32 s0, s3;
	s0 =	sld [smem:$0x3FAA]  }
0x30: {  	s3 =	sld [smem:$0x3FAD]  }
0x31: {  	[smem:$0x3FB6] =	sst s10  }
0x32: {  	s10 =	sld [smem:$0x3FB4];
	_ =	sdelay $0x3  }
0x33: {  	p0 =	seq.s32 s10, $0x1;
	s10 =	sld [smem:$0x3FB6];
	_ =	sdelay $0x3  }
0x34: {  	[smem:$0x3FB6] =	sst s10  }
0x35: {  	s10 =	sld [smem:$0x3FB5];
	_ =	sdelay $0x3  }
0x36: {  	p1 =	seq.s32 s10, $0x1;
	s10 =	sld [smem:$0x3FB6];
	_ =	sdelay $0x3  }
0x37: {  	[smem:$0x3FB6] =	sst s10  }
0x38: {  	s10 =	sld [smem:$0x3FB7]  }
0x39: {  	_ = 	snop;
	(pc) =	sbr.ind lr, $3  }
0x3a: {  	_ = 	snop  }
0x3b: {  	_ = 	snop  }
0x3c: {  	p2 =	seq.s32 s10, $0x1;
	s10 =	sld [smem:$0x3FB6]  }
0x3d: {  	_ =	shalt  }
0x3e: {  	_ =	shalt  }
0x3f: {  	_ =	shalt  }
0x40: {  	_ =	shalt  }
0x41: {  	_ =	shalt  }
0x42: {  	_ =	shalt  }
0x43: {  	_ =	shalt  }
0x44: {  	_ =	shalt  }
0x45: {  	_ =	shalt  }
0x46: {  	_ =	shalt  }
0x47: {  	_ =	shalt  }
0x48: {  	_ =	shalt  }
0x49: {  	_ =	shalt  }
0x4a: {  	_ =	shalt  }
0x4b: {  	_ =	shalt  }
0x4c: {  	_ =	shalt  }
0x4d: {  	_ =	shalt  }
0x4e: {  	_ =	shalt  }
0x4f: {  	_ =	shalt  }
0x50: {  	_ =	shalt  }
0x51: {  	_ =	shalt  }
0x52: {  	_ =	shalt  }
0x53: {  	_ =	shalt  }
0x54: {  	_ =	shalt  }
0x55: {  	_ =	shalt  }
0x56: {  	_ =	shalt  }
0x57: {  	_ =	shalt  }
0x58: {  	_ =	shalt  }
0x59: {  	_ =	shalt  }
0x5a: {  	_ =	shalt  }
0x5b: {  	_ =	shalt  }
0x5c: {  	_ =	shalt  }
0x5d: {  	_ =	shalt  }
0x5e: {  	_ =	shalt  }
0x5f: {  	_ =	shalt  }
0x60: {  	_ =	shalt  }
0x61: {  	_ =	shalt  }
0x62: {  	_ =	shalt  }
0x63: {  	_ =	shalt  }
0x64: {  	_ =	shalt  }
0x65: {  	_ =	shalt  }
0x66: {  	_ =	shalt  }
0x67: {  	_ =	shalt  }
0x68: {  	_ =	shalt  }
0x69: {  	_ =	shalt  }
0x6a: {  	_ =	shalt  }
0x6b: {  	_ =	shalt  }
0x6c: {  	_ =	shalt  }
0x6d: {  	_ =	shalt  }
0x6e: {  	_ =	shalt  }
0x6f: {  	_ =	shalt  }
0x70: {  	_ =	shalt  }
0x71: {  	_ =	shalt  }
0x72: {  	_ =	shalt  }
0x73: {  	_ =	shalt  }
0x74: {  	_ =	shalt  }
0x75: {  	_ =	shalt  }
0x76: {  	_ =	shalt  }
0x77: {  	_ =	shalt  }
0x78: {  	_ =	shalt  }
0x79: {  	_ =	shalt  }
0x7a: {  	_ =	shalt  }
0x7b: {  	_ =	shalt  }
0x7c: {  	_ =	shalt  }
0x7d: {  	_ =	shalt  }
0x7e: {  	_ =	shalt  }
0x7f: {  	_ =	shalt  }
0x80: {  	_ =	shalt  }
0x81: {  	_ =	shalt  }
0x82: {  	_ =	shalt  }
0x83: {  	_ =	shalt  }
0x84: {  	_ =	shalt  }
0x85: {  	_ =	shalt  }
0x86: {  	_ =	shalt  }
0x87: {  	_ =	shalt  }
.Lfunc_end0:
.L_simem_size_0:
called_computation_lowered:
.L_overlay_start_0:
0x88: {  	s2 =	sld [smem:$0x3FD9]  }
0x89: {  	s3 =	sld [smem:$0x3FFE];
	_ =	sdelay $0x1  }
0x8a: {  	s1 =	srdreg.scid  }
0x8b: {  	s0 =	sand.u32 $0x1, s1  }
0x8c: {  	s17 =	sshll.u32 s0, $0xA;
	s2 =	sadd.s32 s3, s2  }
0x8d: {  	s2 =	sadd.s32 s2, s17  }
0x8e: {  	[smem:$0x3FC2] =	sst s2  }
0x8f: {  	_ = 	snop  }
0x90: {  	s2 =	sld [smem:$0x3FD0];
	(tm) =	ssettm $0x1  }
0x91: {  	s18 =	sld [smem:$0x3FFB];
	_ =	sdelay $0x3  }
0x92: {  	_ =	strace s18  }
0x93: {  	s3 =	sld [smem:$0x3FFC];
	_ =	sdelay $0x3  }
0x94: {  	_ =	strace s3  }
0x95: {  	s3 =	sld [smem:$0x3FFD];
	_ =	sdelay $0x3  }
0x96: {  	_ =	strace s3  }
0x97: {  	_ =	strace $0x8FFFFFFF  }
0x98: {  	s19 =	sld [smem:$0x3FDB];
	_ =	sdelay $0x1  }
0x99: {  	s4 =	simm.s32 $_scs_section_size  }
0x9a: {  	s5 =	simm.s32 $_size__tile_overlayer_lowered;
	s6 =	simm.s32 $_tile_overlayer_lowered  }
0x9b: {  	s22 =	simm.s32 $0x1BFF;
	s21 =	sshll.u32 s6, $0x1;
	s3 =	sadd.s32 s4, s19  }
0x9c: {  	s7 =	simm.s32 $0x0;
	s20 =	sshll.u32 s5, $0x1;
	s5 =	sadd.s32 s21, s3  }
0x9d: {  	[timem:s7], [sflag:s22] =	dma.local [hbm:s5], s20  }
0x9e: {  	_ =	swait.ge [sflag:s22], s20  }
0x9f: {  	s4 =	ssub.s32 $0x0, s20;
	[sflag:s22] =	ssyncset.done $0x0  }
0xa0: {  	[sflag:s22] =	ssyncadd.s32 s4;
	_ =	sdelay $0x1  }
0xa1: {  	s23 =	simm.s32 $0x1B8B  }
0xa2: {  	_ =	swait.ge [sflag:s23], $0x1  }
0xa3: {  	[sflag:s23] =	ssyncset.done $0x0  }
0xa4: {  	s25 =	simm.s32 $0x1B8E;
	s24 =	sld [smem:$0x3FFE];
	[sflag:s23] =	ssyncadd.s32 $0xFFFFFFFF  }
0xa5: {  	s26 =	simm.s32 $execute0_lowered;
	[smem:$0x3FD2] =	sst s25  }
0xa6: {  	s5 =	sshll.u32 s26, $0x1;
	_ =	strace $0x80000046;
	[dreg:$0x1] =	wrdreg $0xFFFFFFFF  }
0xa7: {  	s28 =	simm.s32 $_size_execute0_lowered;
	s3 =	sadd.s32 s3, s5;
	[dreg:$0x0] =	wrdreg $0x0  }
0xa8: {  	s5 =	sshll.u32 s28, $0x1;
	[dreg:$0x2] =	wrdreg s3  }
0xa9: {  	[dreg:$0x3] =	wrdreg s5  }
0xaa: {  	[dreg:$0x4] =	wrdreg $0xC0  }
0xab: {  	_ =	task [dreg:s7], $0x5FFFF  }
0xac: {  	[dreg:$0x1] =	wrdreg $0xFFFFFFFF  }
0xad: {  	[dreg:$0x0] =	wrdreg $0x60  }
0xae: {  	[dreg:$0x2] =	wrdreg s24  }
0xaf: {  	[dreg:$0x3] =	wrdreg s2  }
0xb0: {  	[dreg:$0x4] =	wrdreg $0x3C000  }
0xb1: {  	[dreg:$0x5] =	wrdreg $0x9  }
0xb2: {  	_ =	task.clear_ibuf [dreg:s7], $0x6FFFF;
	_ =	strace $0x90000046  }
0xb3: {  	s29 =	simm.s32 $0x9;
	_ =	strace $0x80000048  }
0xb4: {  	_ =	swait.ge [sflag:s29], $0x1  }
0xb5: {  	[sflag:s29] =	ssyncadd.s32 $0xFFFFFFFF  }
0xb6: {  	_ =	strace $0x90000048  }
0xb7: {  	_ =	sfence  }
0xb8: {  	s30 =	sld [smem:$0x0];
	_ =	sdelay $0x2  }
0xb9: {  	s31 =	sshll.u32 s1, $0xD;
	s1 =	sshrl.u32 s1, $0x2  }
0xba: {  	s3 =	sand.u32 $0x4000, s31;
	s1 =	sadd.s32 s1, s30  }
0xbb: {  	s0 =	sor.u32 s3, s0;
	s1 =	sshll.u32 s1, $0x11  }
0xbc: {  	s0 =	sor.u32 s1, s0  }
0xbd: {  	s0 =	sadd.s32 $0x8F2B, s0  }
0xbe: {  	[sflag:s0] =	ssyncadd.remote.s32 $0x1  }
0xbf: {  	_ =	sfence.sel $0xFFFF  }
0xc0: {  	[dreg:$0x0] =	wrdreg $0xFFFFFFFF;
	(pc) =	sbr.abs _section_cstart, $3  }
0xc1: {  	[dreg:$0x1] =	wrdreg $0xFFFFFFFF  }
0xc2: {  	_ =	task.clear_ibuf [dreg:s7], $0x2FFFF;
	_ =	strace $0x9FFFFFFF  }
0xc3: {  	(tm) =	ssettm $0x7FFFFFFF  }
tec
execute0_lowered:
.L_overlay_start_1:
0x0: {  	(tag) =	ssettag $0x1  }
0x1: {  	s0 =	srdreg.scid  }
0x2: {  	s12 =	sand.u32 $0x1, s0  }
0x3: {  	s13 =	rddreg [dreg:$0x0];
	s0 =	stileid.u32;
	s1 =	sshll.u32 s12, $0x4  }
0x4: {  	s8 =	rddreg [dreg:$0x1];
	s1 =	sor.u32 s0, s1  }
0x5: {  	s2 =	rddreg [dreg:$0x2];
	s3 =	simm.s32 $0x0;
	s4 =	smul.u32 $0x500, s1  }
0x6: {  	[smem:$0x7FF] =	sst s3  }
0x7: {  	s1 =	rddreg [dreg:$0x3];
	s4 =	sadd.s32 s4, s13  }
0x8: {  	_ =	strace $0x80000047;
	s5 =	sadd.s32 $0x1E00, s4;
	s4 =	simm.s32 $0x1  }
0x9: {  	[tilespmem:s3], [sflag:$0x1] =	stream.linear.gather [hbm4b:s5+s3], $0x2800, $0x38;
	[tilespmem:$0x3E78] =	vst v63  }
0xa: {  	_ =	swait.ge [sflag:s4], $0x2800  }
0xb: {  	s7 =	simm.s32 $0x2800;
	[sflag:s4] =	ssyncset.done $0x0  }
0xc: {  	s6 =	sadd.s32 $0xBE00, s13;
	s14 =	smul.u32 $0x278, s0;
	[sflag:s4] =	ssyncadd.s32 $0xFFFFD800  }
0xd: {  	[tilespmem:s7], [sflag:$0x1] =	stream.linear.gather [hbm4b:s6+s3], $0x1400, $0x38;
	[tilespmem:$0x3E78] =	vst v63  }
0xe: {  	s28 =	sshll.u32 s0, $0x6;
	s9 =	sshrl.u32 s14, $0x3;
	_ =	swait.ge [sflag:s4], $0x1400  }
0xf: {  	s10 =	sadd.s32 s14, s2;
	s8 =	sadd.s32 s8, s9;
	[sflag:s4] =	ssyncset.done $0x0  }
0x10: {  	s9 =	sor.u32 $0x1C01, s28;
	s10 =	sshrl.u32 s10, $0x3;
	[sflag:s4] =	ssyncadd.s32 $0xFFFFEC00  }
0x11: {  	[spmem:s10], [sflag:s9] =	dma.local [hbm:s8], $0x4F  }
0x12: {  	_ =	swait.ge [sflag:s4], $0x4F  }
0x13: {  	[sflag:s4] =	ssyncset.done $0x0  }
0x14: {  	[sflag:s4] =	ssyncadd.s32 $0xFFFFFFB1  }
0x15: {  	s11 =	simm.s32 $0x1400;
	[bflag:$0x0] =	sbarrier.arrive $0xFFFF  }
0x16: {  	[spmem:s2] =	stream.indirect.scatter.add.f32 [tilespmem:s7], [sflag:$0x1], $0x1, s3, s11, $0xb8;
	[tilespmem:$0x3E78] =	vst v63  }
0x17: {  	s15 =	smul.u32 $0x2780, s12;
	s12 =	ssub.s32 $0x2, s12;
	_ =	swait.ge [sflag:s4], $0x1400  }
0x18: {  	s29 =	sshrl.u32 s12, $0x1;
	[sflag:s4] =	ssyncset.done $0x0  }
0x19: {  	s30 =	ssub.s32 s12, s29;
	[sflag:s4] =	ssyncadd.s32 $0xFFFFEC00  }
0x1a: {  	[spmem:s2] =	stream.indirect.scatter.add.f32 [tilespmem:s7], [sflag:$0x1], $0x1, s11, s11, $0xb8;
	[tilespmem:$0x3E78] =	vst v63  }
0x1b: {  	s14 =	sadd.s32 s14, s15;
	s31 =	smax.u32 s30, $0x1;
	_ =	swait.ge [sflag:s4], $0x1400  }
0x1c: {  	s14 =	sshrl.u32 s14, $0x3;
	p0 =	sne.s32 s31, $0x1;
	[sflag:s4] =	ssyncset.done $0x0  }
.Ltmp0:
0x1d: {  	s13 =	sadd.s32 s14, s13;
	[sflag:s4] =	ssyncadd.s32 $0xFFFFEC00;
	(pc) =	sbr.rel @!p0 .LBB2_2-.Ltmp0, $4  }
0x1e: {  	s12 =	sadd.s32 $0xC200, s13;
	[bflag:$0x0] =	sbarrier.arrive $0xFFFF  }
0x1f: {  	[hbm:s12], [sflag:s9] =	dma.local [spmem:s10], $0x4F  }
0x20: {  	_ =	swait.ge [sflag:s4], $0x4F  }
0x21: {  	s13 =	sadd.s32 $0xFFFFFFFF, s31;
	[sflag:s4] =	ssyncset.done $0x0  }
.LBB2_1:
0x22: {  	p0 =	sne.s32 s13, $0x1;
	s13 =	sadd.s32 $0xFFFFFFFF, s13;
	[sflag:s4] =	ssyncadd.s32 $0xFFFFFFB1  }
0x23: {  	[tilespmem:s3], [sflag:$0x1] =	stream.linear.gather [hbm4b:s5+s3], $0x2800, $0x38;
	[tilespmem:$0x3E78] =	vst v63  }
0x24: {  	_ =	swait.ge [sflag:s4], $0x2800  }
0x25: {  	[sflag:s4] =	ssyncset.done $0x0  }
0x26: {  	[sflag:s4] =	ssyncadd.s32 $0xFFFFD800  }
0x27: {  	[tilespmem:s7], [sflag:$0x1] =	stream.linear.gather [hbm4b:s6+s3], $0x1400, $0x38;
	[tilespmem:$0x3E78] =	vst v63  }
0x28: {  	_ =	swait.ge [sflag:s4], $0x1400  }
0x29: {  	[sflag:s4] =	ssyncset.done $0x0  }
0x2a: {  	[sflag:s4] =	ssyncadd.s32 $0xFFFFEC00  }
0x2b: {  	[spmem:s10], [sflag:s9] =	dma.local [hbm:s8], $0x4F  }
0x2c: {  	_ =	swait.ge [sflag:s4], $0x4F  }
0x2d: {  	[sflag:s4] =	ssyncset.done $0x0  }
0x2e: {  	[sflag:s4] =	ssyncadd.s32 $0xFFFFFFB1  }
0x2f: {  	[bflag:$0x0] =	sbarrier.arrive $0xFFFF  }
0x30: {  	[spmem:s2] =	stream.indirect.scatter.add.f32 [tilespmem:s7], [sflag:$0x1], $0x1, s3, s11, $0xb8;
	[tilespmem:$0x3E78] =	vst v63  }
0x31: {  	_ =	swait.ge [sflag:s4], $0x1400  }
0x32: {  	[sflag:s4] =	ssyncset.done $0x0  }
0x33: {  	[sflag:s4] =	ssyncadd.s32 $0xFFFFEC00  }
0x34: {  	[spmem:s2] =	stream.indirect.scatter.add.f32 [tilespmem:s7], [sflag:$0x1], $0x1, s11, s11, $0xb8;
	[tilespmem:$0x3E78] =	vst v63  }
0x35: {  	_ =	swait.ge [sflag:s4], $0x1400  }
0x36: {  	[sflag:s4] =	ssyncset.done $0x0  }
.Ltmp1:
0x37: {  	[sflag:s4] =	ssyncadd.s32 $0xFFFFEC00;
	(pc) =	sbr.rel @p0 .LBB2_1-.Ltmp1, $4  }
0x38: {  	[bflag:$0x0] =	sbarrier.arrive $0xFFFF  }
0x39: {  	[hbm:s12], [sflag:s9] =	dma.local [spmem:s10], $0x4F  }
0x3a: {  	_ =	swait.ge [sflag:s4], $0x4F  }
0x3b: {  	[sflag:s4] =	ssyncset.done $0x0  }
.LBB2_2:
0x3c: {  	[sflag:s4] =	ssyncadd.s32 $0xFFFFFFB1  }
0x3d: {  	_ =	sfence.sel $0x180000  }
0x3e: {  	[bflag:$0x0] =	sbarrier.arrive $0xFFFF  }
0x3f: {  	p0 =	sne.s32 s0, $0x0;
	_ =	strace $0x90000047  }
0x40: {  	s0 =	sadd.s32 @!p0 $0x100000, s1;
	[bflag:$0x2] =	sbarrier.arrive $0xFFFF  }
0x41: {  	[sflag:s0] =	ssyncadd.tile.s32 @!p0 $0x1;
	_ =	shalt  }
.Lfunc_end2:
_tile_overlayer_lowered:
.L_overlay_start_2:
0x42: {  	(tag) =	ssettag $0x2  }
0x43: {  	s0 =	rddreg [dreg:$0x0];
	s2 =	stileid.u32  }
0x44: {  	s1 =	rddreg [dreg:$0x1];
	p0 =	sne.s32 s2, $0x0  }
0x45: {  	s3 =	rddreg [dreg:$0x2];
	[bflag:$0x3] =	sbarrier.arrive $0xFFFF;
	s2 =	simm.s32 @!p0 $0x1C01  }
0x46: {  	[timem:s3], [sflag:s2] =	dma.local @!p0 [hbm:s0], s1  }
0x47: {  	s0 =	simm.s32 @!p0 $0x1  }
0x48: {  	_ =	swait.ge @!p0 [sflag:s0], s1  }
0x49: {  	s1 =	ssub.s32 @!p0 $0x0, s1;
	[sflag:s0] =	ssyncset.done @!p0 $0x0  }
0x4a: {  	[sflag:s0] =	ssyncadd.s32 @!p0 s1  }
0x4b: {  	[bflag:$0x3] =	sbarrier.arrive $0xFFFF  }
0x4c: {  	_ =	shalt  }

</sc_bundles>
